<compile_context>
chip_gen: v7x
topology: tpu7x:2x2x1
jax: 0.10.2.dev20260603
libtpu: 0.0.44.dev20260713+nightly
codegen_flags: <defaults>
</compile_context>

<pallas_src>
import functools

import jax
import jax.numpy as jnp
from jax import lax
from jax.experimental import pallas as pl
from jax.experimental.pallas import tpu as pltpu
from jax.experimental.pallas import tpu_sc as plsc

_L = 16
_D = 64
_NCHUNK = _D // _L


def _full(v, dtype=jnp.float32):
    return jnp.full((_L,), v, dtype)


def _rsqrt16(v):
    i = lax.bitcast_convert_type(v, jnp.int32)
    i = _full(0x5F3759DF, jnp.int32) - lax.shift_right_arithmetic(
        i, _full(1, jnp.int32)
    )
    y = lax.bitcast_convert_type(i, jnp.float32)
    half_v = _full(0.5) * v
    three_half = _full(1.5)
    for _ in range(4):
        y = y * (three_half - half_v * y * y)
    return y


def _bsum(acc):
    lanes = lax.iota(jnp.int32, _L)
    for sh in (8, 4, 2, 1):
        idx = jnp.bitwise_xor(lanes, _full(sh, jnp.int32))
        acc = acc + acc.at[idx].get(mode="promise_in_bounds")
    return acc


def _body(
    data_hbm, cidx_hbm, marg_hbm, table_hbm, out_hbm, idx_v, cidx_v, slabs_v, rows_v, marg_v, out_v, sem
):
    at_home = (lax.axis_index("c") == 0) & (lax.axis_index("s") == 0)

    @pl.when(at_home)
    def _():
        in_copies = [
            pltpu.make_async_copy(data_hbm, idx_v.at[pl.ds(0, 3)], sem),
            pltpu.make_async_copy(cidx_hbm, cidx_v.at[pl.ds(0, 1)], sem),
            pltpu.make_async_copy(marg_hbm, marg_v.at[pl.ds(0, 1)], sem),
        ]
        for c in in_copies:
            c.start()
        for c in in_copies:
            c.wait()
        tv = idx_v[...]
        cv = cidx_v[...]
        iv = [tv[0], tv[1], tv[2], cv[0]]
        slab_copies = [
            pltpu.make_async_copy(
                table_hbm.at[:, pl.ds(pl.multiple_of((iv[k] // 128) * 128, 128), 128)],
                slabs_v.at[k],
                sem,
            )
            for k in range(4)
        ]
        for c in slab_copies:
            c.start()
        for c in slab_copies:
            c.wait()
        col_copies = [
            pltpu.make_async_copy(
                slabs_v.at[k, :, iv[k] % 128], rows_v.at[k], sem
            )
            for k in range(4)
        ]
        for c in col_copies:
            c.start()
        for c in col_copies:
            c.wait()

        zero = _full(0.0)
        acc_h, acc_t, acc_c = zero, zero, zero
        hs, rs, ts, cs = [], [], [], []
        for j in range(_NCHUNK):
            sl = pl.ds(j * _L, _L)
            hj = rows_v[0, sl]
            rj = rows_v[1, sl]
            tj = rows_v[2, sl]
            cj = rows_v[3, sl]
            hs.append(hj)
            rs.append(rj)
            ts.append(tj)
            cs.append(cj)
            acc_h = acc_h + hj * hj
            acc_t = acc_t + tj * tj
            acc_c = acc_c + cj * cj

        tiny = _full(1e-30)
        eps = _full(1e-12)
        one = _full(1.0)

        def inv_norm(ssq):
            nrm = ssq * _rsqrt16(jnp.maximum(ssq, tiny))
            return one / jnp.maximum(nrm, eps)

        inv_h = inv_norm(_bsum(acc_h))
        inv_t = inv_norm(_bsum(acc_t))
        inv_c = inv_norm(_bsum(acc_c))

        acc_p, acc_n = zero, zero
        for j in range(_NCHUNK):
            base = rs[j] - ts[j] * inv_t
            d = hs[j] * inv_h + base
            e = cs[j] * inv_c + base
            acc_p = acc_p + d * d
            acc_n = acc_n + e * e

        ssq_p = _bsum(acc_p)
        ssq_n = _bsum(acc_n)
        pos = ssq_p * _rsqrt16(jnp.maximum(ssq_p, tiny))
        neg = ssq_n * _rsqrt16(jnp.maximum(ssq_n, tiny))

        out_v[...] = pos - neg + marg_v[...]
        pltpu.sync_copy(out_v.at[pl.ds(0, 1)], out_hbm)


_transe_sc = functools.partial(
    pl.kernel,
    mesh=plsc.VectorSubcoreMesh(
        core_axis_name="c", subcore_axis_name="s", num_cores=1
    ),
    out_type=jax.ShapeDtypeStruct((1,), jnp.float32),
    compiler_params=pltpu.CompilerParams(use_tc_tiling_on_sc=True),
    scratch_types=[
        pltpu.VMEM((_L,), jnp.int32),
        pltpu.VMEM((_L,), jnp.int32),
        pltpu.VMEM_SHARED((4, _D, 128), jnp.float32),
        pltpu.VMEM((4, _D), jnp.float32),
        pltpu.VMEM((_L,), jnp.float32),
        pltpu.VMEM((_L,), jnp.float32),
        pltpu.SemaphoreType.DMA,
    ],
)(_body)


def kernel(data, ent_embeds, corrupt_idx, margin):
    return _transe_sc(data[-1], corrupt_idx, margin, ent_embeds.T)

# --- scband reference (transcript-rebuilt; emitter-appended) ---
"""Pipeline reference for scband-trans-e-5042291606171 (READ-ONLY COPY).

The authoritative reference and input builder live on the scoring server;
editing this copy changes nothing except your own understanding.
"""

import jax, jax.numpy as jnp
import numpy as np

NUM_ENT = 1000000
NUM_REL = 1000
EMBED_DIM = 64
BATCH = 4096


def _l2norm(x):
    # Faithful to F.normalize(x, dim=-1): x / max(||x||_2, eps)
    n = jnp.linalg.norm(x, axis=-1, keepdims=True)
    return x / jnp.maximum(n, 1e-12)


def setup_inputs(seed: int = 0) -> dict:
    key = jax.random.key(seed)
    k1, k2, k3 = jax.random.split(key, 3)
    data = jax.random.randint(k1, (BATCH, 3), 0, NUM_ENT, dtype=jnp.int32)
    # xavier_uniform init for the entity embedding table
    bound = float(np.sqrt(6.0 / (NUM_ENT + EMBED_DIM)))
    ent_embeds = jax.random.uniform(k2, (NUM_ENT, EMBED_DIM), minval=-bound, maxval=bound, dtype=jnp.float32)
    # corruption index (original uses np.random.randint at forward time; we
    # materialize it deterministically as an input)
    corrupt_idx = jax.random.randint(k3, (1,), 0, NUM_ENT, dtype=jnp.int32)
    margin = jnp.array([1.0], dtype=jnp.float32)
    return {"data": data, "ent_embeds": ent_embeds, "corrupt_idx": corrupt_idx, "margin": margin}


def reference(data, ent_embeds, corrupt_idx, margin):
    # idx2embeds: note the original (faithfully reproduced) looks up the
    # relation index in the ENTITY table, and only uses the LAST triple (data[-1]).
    h = _l2norm(jnp.take(ent_embeds, data[-1, 0], axis=0))
    t = _l2norm(jnp.take(ent_embeds, data[-1, 2], axis=0))
    r = jnp.take(ent_embeds, data[-1, 1], axis=0)
    # positive distance
    pos = jnp.linalg.norm(h + r - t, axis=-1)
    # corrupted triple: corrupt the head (fixed deterministic choice of 'h')
    h_c = _l2norm(jnp.take(ent_embeds, corrupt_idx, axis=0))  # shape [1, D]
    neg = jnp.linalg.norm(h_c + r - t, axis=-1)  # broadcasts -> shape [1]
    return pos - neg + margin  # shape [1]

if __name__ == "__main__":
    import jax
    _d = setup_inputs()
    print(jax.jit(kernel)(*tuple(_d.values())))

</pallas_src>

<mosaic_0001>
#map = affine_map<(d0, d1) -> (0)>
#map1 = affine_map<(d0, d1) -> (0, 0)>
module attributes {stable_mosaic.version = 14 : i64} {
  func.func @_body(%arg0: i32, %arg1: i32, %arg2: memref<3xi32, #tpu.memory_space<hbm>>, %arg3: memref<1xi32, #tpu.memory_space<hbm>>, %arg4: memref<1xf32, #tpu.memory_space<hbm>>, %arg5: memref<64x1000000xf32, #tpu.memory_space<hbm>>, %arg6: memref<1xf32, #tpu.memory_space<hbm>>, %arg7: memref<16xi32, #tpu.memory_space<vmem>>, %arg8: memref<16xi32, #tpu.memory_space<vmem>>, %arg9: memref<4x64x128xf32, #tpu.memory_space<vmem_shared>>, %arg10: memref<4x64xf32, #tpu.memory_space<vmem>>, %arg11: memref<16xf32, #tpu.memory_space<vmem>>, %arg12: memref<16xf32, #tpu.memory_space<vmem>>, %arg13: memref<!tpu.dma_semaphore, #tpu.memory_space<semaphore_mem>>) attributes {dimension_semantics = [#tpu.dimension_semantics<core_parallel>, #tpu.dimension_semantics<subcore_parallel>], iteration_bounds = array<i64: 1, 16>, scalar_prefetch = 0 : i64, scratch_operands = 7 : i64, tpu.core_type = #tpu.core_type<sc_vector_subcore>, window_params = [{transform_indices = #map}, {transform_indices = #map}, {transform_indices = #map}, {transform_indices = #map1}, {transform_indices = #map}]} {
    %eq3A = arith.constant 0 : i32
    %eq3A_0 = arith.cmpi eq, %arg0, %eq3A : i32
    %eq3A_1 = arith.constant 0 : i32
    %eq3A_2 = arith.cmpi eq, %arg1, %eq3A_1 : i32
    %and3A = arith.andi %eq3A_0, %eq3A_2 : i1
    %convert_element_type3A = arith.extui %and3A : i1 to i32
    %cond3A = arith.constant 0 : i32
    %cond3A_3 = arith.cmpi ne, %convert_element_type3A, %cond3A : i32
    scf.if %cond3A_3 {
      %dma_start3A = arith.constant 0 : i32
      %dma_start3A_4 = tpu.memref_slice %arg7[%dma_start3A] : memref<16xi32, #tpu.memory_space<vmem>> -> memref<3xi32, #tpu.memory_space<vmem>>
      %dma_start3A_5 = arith.constant 0 : i32
      %dma_start3A_6 = tpu.memref_slice %arg7[%dma_start3A_5] : memref<16xi32, #tpu.memory_space<vmem>> -> memref<3xi32, #tpu.memory_space<vmem>>
      tpu.enqueue_dma source(%arg2 : memref<3xi32, #tpu.memory_space<hbm>>) target(%dma_start3A_6 : memref<3xi32, #tpu.memory_space<vmem>>) target_semaphore(%arg13 : memref<!tpu.dma_semaphore, #tpu.memory_space<semaphore_mem>>)
      %dma_start3A_7 = arith.constant 0 : i32
      %dma_start3A_8 = tpu.memref_slice %arg8[%dma_start3A_7] : memref<16xi32, #tpu.memory_space<vmem>> -> memref<1xi32, #tpu.memory_space<vmem>>
      %dma_start3A_9 = arith.constant 0 : i32
      %dma_start3A_10 = tpu.memref_slice %arg8[%dma_start3A_9] : memref<16xi32, #tpu.memory_space<vmem>> -> memref<1xi32, #tpu.memory_space<vmem>>
      tpu.enqueue_dma source(%arg3 : memref<1xi32, #tpu.memory_space<hbm>>) target(%dma_start3A_10 : memref<1xi32, #tpu.memory_space<vmem>>) target_semaphore(%arg13 : memref<!tpu.dma_semaphore, #tpu.memory_space<semaphore_mem>>)
      %dma_start3A_11 = arith.constant 0 : i32
      %dma_start3A_12 = tpu.memref_slice %arg11[%dma_start3A_11] : memref<16xf32, #tpu.memory_space<vmem>> -> memref<1xf32, #tpu.memory_space<vmem>>
      %dma_start3A_13 = arith.constant 0 : i32
      %dma_start3A_14 = tpu.memref_slice %arg11[%dma_start3A_13] : memref<16xf32, #tpu.memory_space<vmem>> -> memref<1xf32, #tpu.memory_space<vmem>>
      tpu.enqueue_dma source(%arg4 : memref<1xf32, #tpu.memory_space<hbm>>) target(%dma_start3A_14 : memref<1xf32, #tpu.memory_space<vmem>>) target_semaphore(%arg13 : memref<!tpu.dma_semaphore, #tpu.memory_space<semaphore_mem>>)
      %dma_wait3A = arith.constant 0 : i32
      %dma_wait3A_15 = tpu.memref_slice %arg7[%dma_wait3A] : memref<16xi32, #tpu.memory_space<vmem>> -> memref<3xi32, #tpu.memory_space<vmem>>
      %dma_wait3A_16 = arith.constant 0 : i32
      %dma_wait3A_17 = tpu.memref_slice %arg7[%dma_wait3A_16] : memref<16xi32, #tpu.memory_space<vmem>> -> memref<3xi32, #tpu.memory_space<vmem>>
      tpu.wait_dma2 semaphore(%arg13 : memref<!tpu.dma_semaphore, #tpu.memory_space<semaphore_mem>>) src(%arg2 : memref<3xi32, #tpu.memory_space<hbm>>) dst(%dma_wait3A_17 : memref<3xi32, #tpu.memory_space<vmem>>)
      %dma_wait3A_18 = arith.constant 0 : i32
      %dma_wait3A_19 = tpu.memref_slice %arg8[%dma_wait3A_18] : memref<16xi32, #tpu.memory_space<vmem>> -> memref<1xi32, #tpu.memory_space<vmem>>
      %dma_wait3A_20 = arith.constant 0 : i32
      %dma_wait3A_21 = tpu.memref_slice %arg8[%dma_wait3A_20] : memref<16xi32, #tpu.memory_space<vmem>> -> memref<1xi32, #tpu.memory_space<vmem>>
      tpu.wait_dma2 semaphore(%arg13 : memref<!tpu.dma_semaphore, #tpu.memory_space<semaphore_mem>>) src(%arg3 : memref<1xi32, #tpu.memory_space<hbm>>) dst(%dma_wait3A_21 : memref<1xi32, #tpu.memory_space<vmem>>)
      %dma_wait3A_22 = arith.constant 0 : i32
      %dma_wait3A_23 = tpu.memref_slice %arg11[%dma_wait3A_22] : memref<16xf32, #tpu.memory_space<vmem>> -> memref<1xf32, #tpu.memory_space<vmem>>
      %dma_wait3A_24 = arith.constant 0 : i32
      %dma_wait3A_25 = tpu.memref_slice %arg11[%dma_wait3A_24] : memref<16xf32, #tpu.memory_space<vmem>> -> memref<1xf32, #tpu.memory_space<vmem>>
      tpu.wait_dma2 semaphore(%arg13 : memref<!tpu.dma_semaphore, #tpu.memory_space<semaphore_mem>>) src(%arg4 : memref<1xf32, #tpu.memory_space<hbm>>) dst(%dma_wait3A_25 : memref<1xf32, #tpu.memory_space<vmem>>)
      %get3A = arith.constant 0 : index
      %get3A_26 = tpu.vector_load %arg7[%get3A] {strides = array<i32>} : memref<16xi32, #tpu.memory_space<vmem>>, vector<16xi32>,
      %get3A_27 = vector.shape_cast %get3A_26 : vector<16xi32> to vector<16xi32>
      %get3A_28 = arith.constant 0 : index
      %get3A_29 = tpu.vector_load %arg8[%get3A_28] {strides = array<i32>} : memref<16xi32, #tpu.memory_space<vmem>>, vector<16xi32>,
      %get3A_30 = vector.shape_cast %get3A_29 : vector<16xi32> to vector<16xi32>
      %slice3A = vector.extract_strided_slice %get3A_27 {offsets = [0], sizes = [1], strides = [1]} : vector<16xi32> to vector<1xi32>
      %squeeze3A = vector.extract %slice3A[0] : i32 from vector<1xi32>
      %slice3A_31 = vector.extract_strided_slice %get3A_27 {offsets = [1], sizes = [1], strides = [1]} : vector<16xi32> to vector<1xi32>
      %squeeze3A_32 = vector.extract %slice3A_31[0] : i32 from vector<1xi32>
      %slice3A_33 = vector.extract_strided_slice %get3A_27 {offsets = [2], sizes = [1], strides = [1]} : vector<16xi32> to vector<1xi32>
      %squeeze3A_34 = vector.extract %slice3A_33[0] : i32 from vector<1xi32>
      %slice3A_35 = vector.extract_strided_slice %get3A_30 {offsets = [0], sizes = [1], strides = [1]} : vector<16xi32> to vector<1xi32>
      %squeeze3A_36 = vector.extract %slice3A_35[0] : i32 from vector<1xi32>
      %jit3A = arith.constant 128 : i32
      %div3A = arith.divsi %squeeze3A, %jit3A : i32
      %sign3A = arith.constant 0 : i32
      %sign3A_37 = arith.cmpi sgt, %squeeze3A, %sign3A : i32
      %sign3A_38 = arith.extui %sign3A_37 : i1 to i32
      %sign3A_39 = arith.constant 0 : i32
      %sign3A_40 = arith.cmpi slt, %squeeze3A, %sign3A_39 : i32
      %sign3A_41 = arith.extui %sign3A_40 : i1 to i32
      %sign3A_42 = arith.subi %sign3A_38, %sign3A_41 : i32
      %sign3A_43 = arith.constant 0 : i32
      %sign3A_44 = arith.cmpi sgt, %jit3A, %sign3A_43 : i32
      %sign3A_45 = arith.extui %sign3A_44 : i1 to i32
      %sign3A_46 = arith.constant 0 : i32
      %sign3A_47 = arith.cmpi slt, %jit3A, %sign3A_46 : i32
      %sign3A_48 = arith.extui %sign3A_47 : i1 to i32
      %sign3A_49 = arith.subi %sign3A_45, %sign3A_48 : i32
      %ne3A = arith.cmpi ne, %sign3A_42, %sign3A_49 : i32
      %rem3A = arith.remsi %squeeze3A, %jit3A : i32
      %ne3A_50 = arith.constant 0 : i32
      %ne3A_51 = arith.cmpi ne, %rem3A, %ne3A_50 : i32
      %and3A_52 = arith.andi %ne3A, %ne3A_51 : i1
      %sub3A = arith.constant 1 : i32
      %sub3A_53 = arith.subi %div3A, %sub3A : i32
      %select_n3A = arith.select %and3A_52, %sub3A_53, %div3A : i32
      %mul3A = arith.constant 128 : i32
      %mul3A_54 = arith.muli %select_n3A, %mul3A : i32
      %multiple_of3A = tpu.assume_multiple %mul3A_54, 128 : i32
      %jit3A_55 = arith.constant 128 : i32
      %div3A_56 = arith.divsi %squeeze3A_32, %jit3A_55 : i32
      %sign3A_57 = arith.constant 0 : i32
      %sign3A_58 = arith.cmpi sgt, %squeeze3A_32, %sign3A_57 : i32
      %sign3A_59 = arith.extui %sign3A_58 : i1 to i32
      %sign3A_60 = arith.constant 0 : i32
      %sign3A_61 = arith.cmpi slt, %squeeze3A_32, %sign3A_60 : i32
      %sign3A_62 = arith.extui %sign3A_61 : i1 to i32
      %sign3A_63 = arith.subi %sign3A_59, %sign3A_62 : i32
      %sign3A_64 = arith.constant 0 : i32
      %sign3A_65 = arith.cmpi sgt, %jit3A_55, %sign3A_64 : i32
      %sign3A_66 = arith.extui %sign3A_65 : i1 to i32
      %sign3A_67 = arith.constant 0 : i32
      %sign3A_68 = arith.cmpi slt, %jit3A_55, %sign3A_67 : i32
      %sign3A_69 = arith.extui %sign3A_68 : i1 to i32
      %sign3A_70 = arith.subi %sign3A_66, %sign3A_69 : i32
      %ne3A_71 = arith.cmpi ne, %sign3A_63, %sign3A_70 : i32
      %rem3A_72 = arith.remsi %squeeze3A_32, %jit3A_55 : i32
      %ne3A_73 = arith.constant 0 : i32
      %ne3A_74 = arith.cmpi ne, %rem3A_72, %ne3A_73 : i32
      %and3A_75 = arith.andi %ne3A_71, %ne3A_74 : i1
      %sub3A_76 = arith.constant 1 : i32
      %sub3A_77 = arith.subi %div3A_56, %sub3A_76 : i32
      %select_n3A_78 = arith.select %and3A_75, %sub3A_77, %div3A_56 : i32
      %mul3A_79 = arith.constant 128 : i32
      %mul3A_80 = arith.muli %select_n3A_78, %mul3A_79 : i32
      %multiple_of3A_81 = tpu.assume_multiple %mul3A_80, 128 : i32
      %jit3A_82 = arith.constant 128 : i32
      %div3A_83 = arith.divsi %squeeze3A_34, %jit3A_82 : i32
      %sign3A_84 = arith.constant 0 : i32
      %sign3A_85 = arith.cmpi sgt, %squeeze3A_34, %sign3A_84 : i32
      %sign3A_86 = arith.extui %sign3A_85 : i1 to i32
      %sign3A_87 = arith.constant 0 : i32
      %sign3A_88 = arith.cmpi slt, %squeeze3A_34, %sign3A_87 : i32
      %sign3A_89 = arith.extui %sign3A_88 : i1 to i32
      %sign3A_90 = arith.subi %sign3A_86, %sign3A_89 : i32
      %sign3A_91 = arith.constant 0 : i32
      %sign3A_92 = arith.cmpi sgt, %jit3A_82, %sign3A_91 : i32
      %sign3A_93 = arith.extui %sign3A_92 : i1 to i32
      %sign3A_94 = arith.constant 0 : i32
      %sign3A_95 = arith.cmpi slt, %jit3A_82, %sign3A_94 : i32
      %sign3A_96 = arith.extui %sign3A_95 : i1 to i32
      %sign3A_97 = arith.subi %sign3A_93, %sign3A_96 : i32
      %ne3A_98 = arith.cmpi ne, %sign3A_90, %sign3A_97 : i32
      %rem3A_99 = arith.remsi %squeeze3A_34, %jit3A_82 : i32
      %ne3A_100 = arith.constant 0 : i32
      %ne3A_101 = arith.cmpi ne, %rem3A_99, %ne3A_100 : i32
      %and3A_102 = arith.andi %ne3A_98, %ne3A_101 : i1
      %sub3A_103 = arith.constant 1 : i32
      %sub3A_104 = arith.subi %div3A_83, %sub3A_103 : i32
      %select_n3A_105 = arith.select %and3A_102, %sub3A_104, %div3A_83 : i32
      %mul3A_106 = arith.constant 128 : i32
      %mul3A_107 = arith.muli %select_n3A_105, %mul3A_106 : i32
      %multiple_of3A_108 = tpu.assume_multiple %mul3A_107, 128 : i32
      %jit3A_109 = arith.constant 128 : i32
      %div3A_110 = arith.divsi %squeeze3A_36, %jit3A_109 : i32
      %sign3A_111 = arith.constant 0 : i32
      %sign3A_112 = arith.cmpi sgt, %squeeze3A_36, %sign3A_111 : i32
      %sign3A_113 = arith.extui %sign3A_112 : i1 to i32
      %sign3A_114 = arith.constant 0 : i32
      %sign3A_115 = arith.cmpi slt, %squeeze3A_36, %sign3A_114 : i32
      %sign3A_116 = arith.extui %sign3A_115 : i1 to i32
      %sign3A_117 = arith.subi %sign3A_113, %sign3A_116 : i32
      %sign3A_118 = arith.constant 0 : i32
      %sign3A_119 = arith.cmpi sgt, %jit3A_109, %sign3A_118 : i32
      %sign3A_120 = arith.extui %sign3A_119 : i1 to i32
      %sign3A_121 = arith.constant 0 : i32
      %sign3A_122 = arith.cmpi slt, %jit3A_109, %sign3A_121 : i32
      %sign3A_123 = arith.extui %sign3A_122 : i1 to i32
      %sign3A_124 = arith.subi %sign3A_120, %sign3A_123 : i32
      %ne3A_125 = arith.cmpi ne, %sign3A_117, %sign3A_124 : i32
      %rem3A_126 = arith.remsi %squeeze3A_36, %jit3A_109 : i32
      %ne3A_127 = arith.constant 0 : i32
      %ne3A_128 = arith.cmpi ne, %rem3A_126, %ne3A_127 : i32
      %and3A_129 = arith.andi %ne3A_125, %ne3A_128 : i1
      %sub3A_130 = arith.constant 1 : i32
      %sub3A_131 = arith.subi %div3A_110, %sub3A_130 : i32
      %select_n3A_132 = arith.select %and3A_129, %sub3A_131, %div3A_110 : i32
      %mul3A_133 = arith.constant 128 : i32
      %mul3A_134 = arith.muli %select_n3A_132, %mul3A_133 : i32
      %multiple_of3A_135 = tpu.assume_multiple %mul3A_134, 128 : i32
      %dma_start3A_136 = arith.constant 0 : i32
      %dma_start3A_137 = arith.constant 0 : i32
      %dma_start3A_138 = arith.constant 0 : i32
      %dma_start3A_139 = tpu.memref_slice %arg9[%dma_start3A_136, %dma_start3A_137, %dma_start3A_138] : memref<4x64x128xf32, #tpu.memory_space<vmem_shared>> -> memref<1x64x128xf32, #tpu.memory_space<vmem_shared>>
      %dma_start3A_140 = tpu.memref_squeeze %dma_start3A_139 : memref<1x64x128xf32, #tpu.memory_space<vmem_shared>> -> memref<64x128xf32, #tpu.memory_space<vmem_shared>>
      %dma_start3A_141 = arith.constant 0 : i32
      %dma_start3A_142 = tpu.memref_slice %arg5[%dma_start3A_141, %multiple_of3A] : memref<64x1000000xf32, #tpu.memory_space<hbm>> -> memref<64x128xf32, #tpu.memory_space<hbm>>
      tpu.enqueue_dma source(%dma_start3A_142 : memref<64x128xf32, #tpu.memory_space<hbm>>) target(%dma_start3A_140 : memref<64x128xf32, #tpu.memory_space<vmem_shared>>) target_semaphore(%arg13 : memref<!tpu.dma_semaphore, #tpu.memory_space<semaphore_mem>>)
      %dma_start3A_143 = arith.constant 1 : i32
      %dma_start3A_144 = arith.constant 0 : i32
      %dma_start3A_145 = arith.constant 0 : i32
      %dma_start3A_146 = tpu.memref_slice %arg9[%dma_start3A_143, %dma_start3A_144, %dma_start3A_145] : memref<4x64x128xf32, #tpu.memory_space<vmem_shared>> -> memref<1x64x128xf32, #tpu.memory_space<vmem_shared>>
      %dma_start3A_147 = tpu.memref_squeeze %dma_start3A_146 : memref<1x64x128xf32, #tpu.memory_space<vmem_shared>> -> memref<64x128xf32, #tpu.memory_space<vmem_shared>>
      %dma_start3A_148 = arith.constant 0 : i32
      %dma_start3A_149 = tpu.memref_slice %arg5[%dma_start3A_148, %multiple_of3A_81] : memref<64x1000000xf32, #tpu.memory_space<hbm>> -> memref<64x128xf32, #tpu.memory_space<hbm>>
      tpu.enqueue_dma source(%dma_start3A_149 : memref<64x128xf32, #tpu.memory_space<hbm>>) target(%dma_start3A_147 : memref<64x128xf32, #tpu.memory_space<vmem_shared>>) target_semaphore(%arg13 : memref<!tpu.dma_semaphore, #tpu.memory_space<semaphore_mem>>)
      %dma_start3A_150 = arith.constant 2 : i32
      %dma_start3A_151 = arith.constant 0 : i32
      %dma_start3A_152 = arith.constant 0 : i32
      %dma_start3A_153 = tpu.memref_slice %arg9[%dma_start3A_150, %dma_start3A_151, %dma_start3A_152] : memref<4x64x128xf32, #tpu.memory_space<vmem_shared>> -> memref<1x64x128xf32, #tpu.memory_space<vmem_shared>>
      %dma_start3A_154 = tpu.memref_squeeze %dma_start3A_153 : memref<1x64x128xf32, #tpu.memory_space<vmem_shared>> -> memref<64x128xf32, #tpu.memory_space<vmem_shared>>
      %dma_start3A_155 = arith.constant 0 : i32
      %dma_start3A_156 = tpu.memref_slice %arg5[%dma_start3A_155, %multiple_of3A_108] : memref<64x1000000xf32, #tpu.memory_space<hbm>> -> memref<64x128xf32, #tpu.memory_space<hbm>>
      tpu.enqueue_dma source(%dma_start3A_156 : memref<64x128xf32, #tpu.memory_space<hbm>>) target(%dma_start3A_154 : memref<64x128xf32, #tpu.memory_space<vmem_shared>>) target_semaphore(%arg13 : memref<!tpu.dma_semaphore, #tpu.memory_space<semaphore_mem>>)
      %dma_start3A_157 = arith.constant 3 : i32
      %dma_start3A_158 = arith.constant 0 : i32
      %dma_start3A_159 = arith.constant 0 : i32
      %dma_start3A_160 = tpu.memref_slice %arg9[%dma_start3A_157, %dma_start3A_158, %dma_start3A_159] : memref<4x64x128xf32, #tpu.memory_space<vmem_shared>> -> memref<1x64x128xf32, #tpu.memory_space<vmem_shared>>
      %dma_start3A_161 = tpu.memref_squeeze %dma_start3A_160 : memref<1x64x128xf32, #tpu.memory_space<vmem_shared>> -> memref<64x128xf32, #tpu.memory_space<vmem_shared>>
      %dma_start3A_162 = arith.constant 0 : i32
      %dma_start3A_163 = tpu.memref_slice %arg5[%dma_start3A_162, %multiple_of3A_135] : memref<64x1000000xf32, #tpu.memory_space<hbm>> -> memref<64x128xf32, #tpu.memory_space<hbm>>
      tpu.enqueue_dma source(%dma_start3A_163 : memref<64x128xf32, #tpu.memory_space<hbm>>) target(%dma_start3A_161 : memref<64x128xf32, #tpu.memory_space<vmem_shared>>) target_semaphore(%arg13 : memref<!tpu.dma_semaphore, #tpu.memory_space<semaphore_mem>>)
      %dma_wait3A_164 = arith.constant 0 : i32
      %dma_wait3A_165 = arith.constant 0 : i32
      %dma_wait3A_166 = arith.constant 0 : i32
      %dma_wait3A_167 = tpu.memref_slice %arg9[%dma_wait3A_164, %dma_wait3A_165, %dma_wait3A_166] : memref<4x64x128xf32, #tpu.memory_space<vmem_shared>> -> memref<1x64x128xf32, #tpu.memory_space<vmem_shared>>
      %dma_wait3A_168 = tpu.memref_squeeze %dma_wait3A_167 : memref<1x64x128xf32, #tpu.memory_space<vmem_shared>> -> memref<64x128xf32, #tpu.memory_space<vmem_shared>>
      %dma_wait3A_169 = arith.constant 0 : i32
      %dma_wait3A_170 = tpu.memref_slice %arg5[%dma_wait3A_169, %multiple_of3A] : memref<64x1000000xf32, #tpu.memory_space<hbm>> -> memref<64x128xf32, #tpu.memory_space<hbm>>
      tpu.wait_dma2 semaphore(%arg13 : memref<!tpu.dma_semaphore, #tpu.memory_space<semaphore_mem>>) src(%dma_wait3A_170 : memref<64x128xf32, #tpu.memory_space<hbm>>) dst(%dma_wait3A_168 : memref<64x128xf32, #tpu.memory_space<vmem_shared>>)
      %dma_wait3A_171 = arith.constant 1 : i32
      %dma_wait3A_172 = arith.constant 0 : i32
      %dma_wait3A_173 = arith.constant 0 : i32
      %dma_wait3A_174 = tpu.memref_slice %arg9[%dma_wait3A_171, %dma_wait3A_172, %dma_wait3A_173] : memref<4x64x128xf32, #tpu.memory_space<vmem_shared>> -> memref<1x64x128xf32, #tpu.memory_space<vmem_shared>>
      %dma_wait3A_175 = tpu.memref_squeeze %dma_wait3A_174 : memref<1x64x128xf32, #tpu.memory_space<vmem_shared>> -> memref<64x128xf32, #tpu.memory_space<vmem_shared>>
      %dma_wait3A_176 = arith.constant 0 : i32
      %dma_wait3A_177 = tpu.memref_slice %arg5[%dma_wait3A_176, %multiple_of3A_81] : memref<64x1000000xf32, #tpu.memory_space<hbm>> -> memref<64x128xf32, #tpu.memory_space<hbm>>
      tpu.wait_dma2 semaphore(%arg13 : memref<!tpu.dma_semaphore, #tpu.memory_space<semaphore_mem>>) src(%dma_wait3A_177 : memref<64x128xf32, #tpu.memory_space<hbm>>) dst(%dma_wait3A_175 : memref<64x128xf32, #tpu.memory_space<vmem_shared>>)
      %dma_wait3A_178 = arith.constant 2 : i32
      %dma_wait3A_179 = arith.constant 0 : i32
      %dma_wait3A_180 = arith.constant 0 : i32
      %dma_wait3A_181 = tpu.memref_slice %arg9[%dma_wait3A_178, %dma_wait3A_179, %dma_wait3A_180] : memref<4x64x128xf32, #tpu.memory_space<vmem_shared>> -> memref<1x64x128xf32, #tpu.memory_space<vmem_shared>>
      %dma_wait3A_182 = tpu.memref_squeeze %dma_wait3A_181 : memref<1x64x128xf32, #tpu.memory_space<vmem_shared>> -> memref<64x128xf32, #tpu.memory_space<vmem_shared>>
      %dma_wait3A_183 = arith.constant 0 : i32
      %dma_wait3A_184 = tpu.memref_slice %arg5[%dma_wait3A_183, %multiple_of3A_108] : memref<64x1000000xf32, #tpu.memory_space<hbm>> -> memref<64x128xf32, #tpu.memory_space<hbm>>
      tpu.wait_dma2 semaphore(%arg13 : memref<!tpu.dma_semaphore, #tpu.memory_space<semaphore_mem>>) src(%dma_wait3A_184 : memref<64x128xf32, #tpu.memory_space<hbm>>) dst(%dma_wait3A_182 : memref<64x128xf32, #tpu.memory_space<vmem_shared>>)
      %dma_wait3A_185 = arith.constant 3 : i32
      %dma_wait3A_186 = arith.constant 0 : i32
      %dma_wait3A_187 = arith.constant 0 : i32
      %dma_wait3A_188 = tpu.memref_slice %arg9[%dma_wait3A_185, %dma_wait3A_186, %dma_wait3A_187] : memref<4x64x128xf32, #tpu.memory_space<vmem_shared>> -> memref<1x64x128xf32, #tpu.memory_space<vmem_shared>>
      %dma_wait3A_189 = tpu.memref_squeeze %dma_wait3A_188 : memref<1x64x128xf32, #tpu.memory_space<vmem_shared>> -> memref<64x128xf32, #tpu.memory_space<vmem_shared>>
      %dma_wait3A_190 = arith.constant 0 : i32
      %dma_wait3A_191 = tpu.memref_slice %arg5[%dma_wait3A_190, %multiple_of3A_135] : memref<64x1000000xf32, #tpu.memory_space<hbm>> -> memref<64x128xf32, #tpu.memory_space<hbm>>
      tpu.wait_dma2 semaphore(%arg13 : memref<!tpu.dma_semaphore, #tpu.memory_space<semaphore_mem>>) src(%dma_wait3A_191 : memref<64x128xf32, #tpu.memory_space<hbm>>) dst(%dma_wait3A_189 : memref<64x128xf32, #tpu.memory_space<vmem_shared>>)
      %jit3A_192 = arith.constant 128 : i32
      %eq3A_193 = arith.constant 0 : i32
      %eq3A_194 = arith.cmpi eq, %jit3A_192, %eq3A_193 : i32
      %jit3A_195 = arith.constant 1 : i32
      %select_n3A_196 = arith.select %eq3A_194, %jit3A_195, %jit3A_192 : i32
      %rem3A_197 = arith.remsi %squeeze3A, %select_n3A_196 : i32
      %ne3A_198 = arith.constant 0 : i32
      %ne3A_199 = arith.cmpi ne, %rem3A_197, %ne3A_198 : i32
      %lt3A = arith.constant 0 : i32
      %lt3A_200 = arith.cmpi slt, %rem3A_197, %lt3A : i32
      %lt3A_201 = arith.constant 0 : i32
      %lt3A_202 = arith.cmpi slt, %select_n3A_196, %lt3A_201 : i32
      %ne3A_203 = arith.xori %lt3A_200, %lt3A_202 : i1
      %and3A_204 = arith.andi %ne3A_203, %ne3A_199 : i1
      %add3A = arith.addi %rem3A_197, %select_n3A_196 : i32
      %select_n3A_205 = arith.select %and3A_204, %add3A, %rem3A_197 : i32
      %jit3A_206 = arith.constant 128 : i32
      %eq3A_207 = arith.constant 0 : i32
      %eq3A_208 = arith.cmpi eq, %jit3A_206, %eq3A_207 : i32
      %jit3A_209 = arith.constant 1 : i32
      %select_n3A_210 = arith.select %eq3A_208, %jit3A_209, %jit3A_206 : i32
      %rem3A_211 = arith.remsi %squeeze3A_32, %select_n3A_210 : i32
      %ne3A_212 = arith.constant 0 : i32
      %ne3A_213 = arith.cmpi ne, %rem3A_211, %ne3A_212 : i32
      %lt3A_214 = arith.constant 0 : i32
      %lt3A_215 = arith.cmpi slt, %rem3A_211, %lt3A_214 : i32
      %lt3A_216 = arith.constant 0 : i32
      %lt3A_217 = arith.cmpi slt, %select_n3A_210, %lt3A_216 : i32
      %ne3A_218 = arith.xori %lt3A_215, %lt3A_217 : i1
      %and3A_219 = arith.andi %ne3A_218, %ne3A_213 : i1
      %add3A_220 = arith.addi %rem3A_211, %select_n3A_210 : i32
      %select_n3A_221 = arith.select %and3A_219, %add3A_220, %rem3A_211 : i32
      %jit3A_222 = arith.constant 128 : i32
      %eq3A_223 = arith.constant 0 : i32
      %eq3A_224 = arith.cmpi eq, %jit3A_222, %eq3A_223 : i32
      %jit3A_225 = arith.constant 1 : i32
      %select_n3A_226 = arith.select %eq3A_224, %jit3A_225, %jit3A_222 : i32
      %rem3A_227 = arith.remsi %squeeze3A_34, %select_n3A_226 : i32
      %ne3A_228 = arith.constant 0 : i32
      %ne3A_229 = arith.cmpi ne, %rem3A_227, %ne3A_228 : i32
      %lt3A_230 = arith.constant 0 : i32
      %lt3A_231 = arith.cmpi slt, %rem3A_227, %lt3A_230 : i32
      %lt3A_232 = arith.constant 0 : i32
      %lt3A_233 = arith.cmpi slt, %select_n3A_226, %lt3A_232 : i32
      %ne3A_234 = arith.xori %lt3A_231, %lt3A_233 : i1
      %and3A_235 = arith.andi %ne3A_234, %ne3A_229 : i1
      %add3A_236 = arith.addi %rem3A_227, %select_n3A_226 : i32
      %select_n3A_237 = arith.select %and3A_235, %add3A_236, %rem3A_227 : i32
      %jit3A_238 = arith.constant 128 : i32
      %eq3A_239 = arith.constant 0 : i32
      %eq3A_240 = arith.cmpi eq, %jit3A_238, %eq3A_239 : i32
      %jit3A_241 = arith.constant 1 : i32
      %select_n3A_242 = arith.select %eq3A_240, %jit3A_241, %jit3A_238 : i32
      %rem3A_243 = arith.remsi %squeeze3A_36, %select_n3A_242 : i32
      %ne3A_244 = arith.constant 0 : i32
      %ne3A_245 = arith.cmpi ne, %rem3A_243, %ne3A_244 : i32
      %lt3A_246 = arith.constant 0 : i32
      %lt3A_247 = arith.cmpi slt, %rem3A_243, %lt3A_246 : i32
      %lt3A_248 = arith.constant 0 : i32
      %lt3A_249 = arith.cmpi slt, %select_n3A_242, %lt3A_248 : i32
      %ne3A_250 = arith.xori %lt3A_247, %lt3A_249 : i1
      %and3A_251 = arith.andi %ne3A_250, %ne3A_245 : i1
      %add3A_252 = arith.addi %rem3A_243, %select_n3A_242 : i32
      %select_n3A_253 = arith.select %and3A_251, %add3A_252, %rem3A_243 : i32
      %dma_start3A_254 = arith.constant 0 : i32
      %dma_start3A_255 = arith.constant 0 : i32
      %dma_start3A_256 = arith.constant 0 : i32
      %dma_start3A_257 = tpu.memref_slice %arg10[%dma_start3A_255, %dma_start3A_256] : memref<4x64xf32, #tpu.memory_space<vmem>> -> memref<1x64xf32, #tpu.memory_space<vmem>>
      %dma_start3A_258 = tpu.memref_squeeze %dma_start3A_257 : memref<1x64xf32, #tpu.memory_space<vmem>> -> memref<64xf32, #tpu.memory_space<vmem>>
      %dma_start3A_259 = arith.constant 0 : i32
      %dma_start3A_260 = tpu.memref_slice %arg9[%dma_start3A_254, %dma_start3A_259, %select_n3A_205] : memref<4x64x128xf32, #tpu.memory_space<vmem_shared>> -> memref<1x64x1xf32, #tpu.memory_space<vmem_shared>>
      %dma_start3A_261 = tpu.memref_squeeze %dma_start3A_260 : memref<1x64x1xf32, #tpu.memory_space<vmem_shared>> -> memref<64xf32, #tpu.memory_space<vmem_shared>>
      %dma_start3A_262 = arith.constant 0 : i32
      %dma_start3A_263 = tpu.memref_slice %arg10[%dma_start3A_255, %dma_start3A_262] : memref<4x64xf32, #tpu.memory_space<vmem>> -> memref<1x64xf32, #tpu.memory_space<vmem>>
      %dma_start3A_264 = tpu.memref_squeeze %dma_start3A_263 : memref<1x64xf32, #tpu.memory_space<vmem>> -> memref<64xf32, #tpu.memory_space<vmem>>
      %dma_start3A_265 = arith.constant 0 : i32
      %dma_start3A_266 = tpu.memref_slice %arg9[%dma_start3A_254, %dma_start3A_265, %select_n3A_205] : memref<4x64x128xf32, #tpu.memory_space<vmem_shared>> -> memref<1x64x1xf32, #tpu.memory_space<vmem_shared>>
      %dma_start3A_267 = tpu.memref_squeeze %dma_start3A_266 : memref<1x64x1xf32, #tpu.memory_space<vmem_shared>> -> memref<64xf32, #tpu.memory_space<vmem_shared>>
      tpu.enqueue_dma source(%dma_start3A_267 : memref<64xf32, #tpu.memory_space<vmem_shared>>) target(%dma_start3A_264 : memref<64xf32, #tpu.memory_space<vmem>>) target_semaphore(%arg13 : memref<!tpu.dma_semaphore, #tpu.memory_space<semaphore_mem>>)
      %dma_start3A_268 = arith.constant 1 : i32
      %dma_start3A_269 = arith.constant 1 : i32
      %dma_start3A_270 = arith.constant 0 : i32
      %dma_start3A_271 = tpu.memref_slice %arg10[%dma_start3A_269, %dma_start3A_270] : memref<4x64xf32, #tpu.memory_space<vmem>> -> memref<1x64xf32, #tpu.memory_space<vmem>>
      %dma_start3A_272 = tpu.memref_squeeze %dma_start3A_271 : memref<1x64xf32, #tpu.memory_space<vmem>> -> memref<64xf32, #tpu.memory_space<vmem>>
      %dma_start3A_273 = arith.constant 0 : i32
      %dma_start3A_274 = tpu.memref_slice %arg9[%dma_start3A_268, %dma_start3A_273, %select_n3A_221] : memref<4x64x128xf32, #tpu.memory_space<vmem_shared>> -> memref<1x64x1xf32, #tpu.memory_space<vmem_shared>>
      %dma_start3A_275 = tpu.memref_squeeze %dma_start3A_274 : memref<1x64x1xf32, #tpu.memory_space<vmem_shared>> -> memref<64xf32, #tpu.memory_space<vmem_shared>>
      %dma_start3A_276 = arith.constant 0 : i32
      %dma_start3A_277 = tpu.memref_slice %arg10[%dma_start3A_269, %dma_start3A_276] : memref<4x64xf32, #tpu.memory_space<vmem>> -> memref<1x64xf32, #tpu.memory_space<vmem>>
      %dma_start3A_278 = tpu.memref_squeeze %dma_start3A_277 : memref<1x64xf32, #tpu.memory_space<vmem>> -> memref<64xf32, #tpu.memory_space<vmem>>
      %dma_start3A_279 = arith.constant 0 : i32
      %dma_start3A_280 = tpu.memref_slice %arg9[%dma_start3A_268, %dma_start3A_279, %select_n3A_221] : memref<4x64x128xf32, #tpu.memory_space<vmem_shared>> -> memref<1x64x1xf32, #tpu.memory_space<vmem_shared>>
      %dma_start3A_281 = tpu.memref_squeeze %dma_start3A_280 : memref<1x64x1xf32, #tpu.memory_space<vmem_shared>> -> memref<64xf32, #tpu.memory_space<vmem_shared>>
      tpu.enqueue_dma source(%dma_start3A_281 : memref<64xf32, #tpu.memory_space<vmem_shared>>) target(%dma_start3A_278 : memref<64xf32, #tpu.memory_space<vmem>>) target_semaphore(%arg13 : memref<!tpu.dma_semaphore, #tpu.memory_space<semaphore_mem>>)
      %dma_start3A_282 = arith.constant 2 : i32
      %dma_start3A_283 = arith.constant 2 : i32
      %dma_start3A_284 = arith.constant 0 : i32
      %dma_start3A_285 = tpu.memref_slice %arg10[%dma_start3A_283, %dma_start3A_284] : memref<4x64xf32, #tpu.memory_space<vmem>> -> memref<1x64xf32, #tpu.memory_space<vmem>>
      %dma_start3A_286 = tpu.memref_squeeze %dma_start3A_285 : memref<1x64xf32, #tpu.memory_space<vmem>> -> memref<64xf32, #tpu.memory_space<vmem>>
      %dma_start3A_287 = arith.constant 0 : i32
      %dma_start3A_288 = tpu.memref_slice %arg9[%dma_start3A_282, %dma_start3A_287, %select_n3A_237] : memref<4x64x128xf32, #tpu.memory_space<vmem_shared>> -> memref<1x64x1xf32, #tpu.memory_space<vmem_shared>>
      %dma_start3A_289 = tpu.memref_squeeze %dma_start3A_288 : memref<1x64x1xf32, #tpu.memory_space<vmem_shared>> -> memref<64xf32, #tpu.memory_space<vmem_shared>>
      %dma_start3A_290 = arith.constant 0 : i32
      %dma_start3A_291 = tpu.memref_slice %arg10[%dma_start3A_283, %dma_start3A_290] : memref<4x64xf32, #tpu.memory_space<vmem>> -> memref<1x64xf32, #tpu.memory_space<vmem>>
      %dma_start3A_292 = tpu.memref_squeeze %dma_start3A_291 : memref<1x64xf32, #tpu.memory_space<vmem>> -> memref<64xf32, #tpu.memory_space<vmem>>
      %dma_start3A_293 = arith.constant 0 : i32
      %dma_start3A_294 = tpu.memref_slice %arg9[%dma_start3A_282, %dma_start3A_293, %select_n3A_237] : memref<4x64x128xf32, #tpu.memory_space<vmem_shared>> -> memref<1x64x1xf32, #tpu.memory_space<vmem_shared>>
      %dma_start3A_295 = tpu.memref_squeeze %dma_start3A_294 : memref<1x64x1xf32, #tpu.memory_space<vmem_shared>> -> memref<64xf32, #tpu.memory_space<vmem_shared>>
      tpu.enqueue_dma source(%dma_start3A_295 : memref<64xf32, #tpu.memory_space<vmem_shared>>) target(%dma_start3A_292 : memref<64xf32, #tpu.memory_space<vmem>>) target_semaphore(%arg13 : memref<!tpu.dma_semaphore, #tpu.memory_space<semaphore_mem>>)
      %dma_start3A_296 = arith.constant 3 : i32
      %dma_start3A_297 = arith.constant 3 : i32
      %dma_start3A_298 = arith.constant 0 : i32
      %dma_start3A_299 = tpu.memref_slice %arg10[%dma_start3A_297, %dma_start3A_298] : memref<4x64xf32, #tpu.memory_space<vmem>> -> memref<1x64xf32, #tpu.memory_space<vmem>>
      %dma_start3A_300 = tpu.memref_squeeze %dma_start3A_299 : memref<1x64xf32, #tpu.memory_space<vmem>> -> memref<64xf32, #tpu.memory_space<vmem>>
      %dma_start3A_301 = arith.constant 0 : i32
      %dma_start3A_302 = tpu.memref_slice %arg9[%dma_start3A_296, %dma_start3A_301, %select_n3A_253] : memref<4x64x128xf32, #tpu.memory_space<vmem_shared>> -> memref<1x64x1xf32, #tpu.memory_space<vmem_shared>>
      %dma_start3A_303 = tpu.memref_squeeze %dma_start3A_302 : memref<1x64x1xf32, #tpu.memory_space<vmem_shared>> -> memref<64xf32, #tpu.memory_space<vmem_shared>>
      %dma_start3A_304 = arith.constant 0 : i32
      %dma_start3A_305 = tpu.memref_slice %arg10[%dma_start3A_297, %dma_start3A_304] : memref<4x64xf32, #tpu.memory_space<vmem>> -> memref<1x64xf32, #tpu.memory_space<vmem>>
      %dma_start3A_306 = tpu.memref_squeeze %dma_start3A_305 : memref<1x64xf32, #tpu.memory_space<vmem>> -> memref<64xf32, #tpu.memory_space<vmem>>
      %dma_start3A_307 = arith.constant 0 : i32
      %dma_start3A_308 = tpu.memref_slice %arg9[%dma_start3A_296, %dma_start3A_307, %select_n3A_253] : memref<4x64x128xf32, #tpu.memory_space<vmem_shared>> -> memref<1x64x1xf32, #tpu.memory_space<vmem_shared>>
      %dma_start3A_309 = tpu.memref_squeeze %dma_start3A_308 : memref<1x64x1xf32, #tpu.memory_space<vmem_shared>> -> memref<64xf32, #tpu.memory_space<vmem_shared>>
      tpu.enqueue_dma source(%dma_start3A_309 : memref<64xf32, #tpu.memory_space<vmem_shared>>) target(%dma_start3A_306 : memref<64xf32, #tpu.memory_space<vmem>>) target_semaphore(%arg13 : memref<!tpu.dma_semaphore, #tpu.memory_space<semaphore_mem>>)
      %dma_wait3A_310 = arith.constant 0 : i32
      %dma_wait3A_311 = arith.constant 0 : i32
      %dma_wait3A_312 = arith.constant 0 : i32
      %dma_wait3A_313 = tpu.memref_slice %arg10[%dma_wait3A_311, %dma_wait3A_312] : memref<4x64xf32, #tpu.memory_space<vmem>> -> memref<1x64xf32, #tpu.memory_space<vmem>>
      %dma_wait3A_314 = tpu.memref_squeeze %dma_wait3A_313 : memref<1x64xf32, #tpu.memory_space<vmem>> -> memref<64xf32, #tpu.memory_space<vmem>>
      %dma_wait3A_315 = arith.constant 0 : i32
      %dma_wait3A_316 = tpu.memref_slice %arg9[%dma_wait3A_310, %dma_wait3A_315, %select_n3A_205] : memref<4x64x128xf32, #tpu.memory_space<vmem_shared>> -> memref<1x64x1xf32, #tpu.memory_space<vmem_shared>>
      %dma_wait3A_317 = tpu.memref_squeeze %dma_wait3A_316 : memref<1x64x1xf32, #tpu.memory_space<vmem_shared>> -> memref<64xf32, #tpu.memory_space<vmem_shared>>
      %dma_wait3A_318 = arith.constant 0 : i32
      %dma_wait3A_319 = tpu.memref_slice %arg10[%dma_wait3A_311, %dma_wait3A_318] : memref<4x64xf32, #tpu.memory_space<vmem>> -> memref<1x64xf32, #tpu.memory_space<vmem>>
      %dma_wait3A_320 = tpu.memref_squeeze %dma_wait3A_319 : memref<1x64xf32, #tpu.memory_space<vmem>> -> memref<64xf32, #tpu.memory_space<vmem>>
      %dma_wait3A_321 = arith.constant 0 : i32
      %dma_wait3A_322 = tpu.memref_slice %arg9[%dma_wait3A_310, %dma_wait3A_321, %select_n3A_205] : memref<4x64x128xf32, #tpu.memory_space<vmem_shared>> -> memref<1x64x1xf32, #tpu.memory_space<vmem_shared>>
      %dma_wait3A_323 = tpu.memref_squeeze %dma_wait3A_322 : memref<1x64x1xf32, #tpu.memory_space<vmem_shared>> -> memref<64xf32, #tpu.memory_space<vmem_shared>>
      tpu.wait_dma2 semaphore(%arg13 : memref<!tpu.dma_semaphore, #tpu.memory_space<semaphore_mem>>) src(%dma_wait3A_323 : memref<64xf32, #tpu.memory_space<vmem_shared>>) dst(%dma_wait3A_320 : memref<64xf32, #tpu.memory_space<vmem>>)
      %dma_wait3A_324 = arith.constant 1 : i32
      %dma_wait3A_325 = arith.constant 1 : i32
      %dma_wait3A_326 = arith.constant 0 : i32
      %dma_wait3A_327 = tpu.memref_slice %arg10[%dma_wait3A_325, %dma_wait3A_326] : memref<4x64xf32, #tpu.memory_space<vmem>> -> memref<1x64xf32, #tpu.memory_space<vmem>>
      %dma_wait3A_328 = tpu.memref_squeeze %dma_wait3A_327 : memref<1x64xf32, #tpu.memory_space<vmem>> -> memref<64xf32, #tpu.memory_space<vmem>>
      %dma_wait3A_329 = arith.constant 0 : i32
      %dma_wait3A_330 = tpu.memref_slice %arg9[%dma_wait3A_324, %dma_wait3A_329, %select_n3A_221] : memref<4x64x128xf32, #tpu.memory_space<vmem_shared>> -> memref<1x64x1xf32, #tpu.memory_space<vmem_shared>>
      %dma_wait3A_331 = tpu.memref_squeeze %dma_wait3A_330 : memref<1x64x1xf32, #tpu.memory_space<vmem_shared>> -> memref<64xf32, #tpu.memory_space<vmem_shared>>
      %dma_wait3A_332 = arith.constant 0 : i32
      %dma_wait3A_333 = tpu.memref_slice %arg10[%dma_wait3A_325, %dma_wait3A_332] : memref<4x64xf32, #tpu.memory_space<vmem>> -> memref<1x64xf32, #tpu.memory_space<vmem>>
      %dma_wait3A_334 = tpu.memref_squeeze %dma_wait3A_333 : memref<1x64xf32, #tpu.memory_space<vmem>> -> memref<64xf32, #tpu.memory_space<vmem>>
      %dma_wait3A_335 = arith.constant 0 : i32
      %dma_wait3A_336 = tpu.memref_slice %arg9[%dma_wait3A_324, %dma_wait3A_335, %select_n3A_221] : memref<4x64x128xf32, #tpu.memory_space<vmem_shared>> -> memref<1x64x1xf32, #tpu.memory_space<vmem_shared>>
      %dma_wait3A_337 = tpu.memref_squeeze %dma_wait3A_336 : memref<1x64x1xf32, #tpu.memory_space<vmem_shared>> -> memref<64xf32, #tpu.memory_space<vmem_shared>>
      tpu.wait_dma2 semaphore(%arg13 : memref<!tpu.dma_semaphore, #tpu.memory_space<semaphore_mem>>) src(%dma_wait3A_337 : memref<64xf32, #tpu.memory_space<vmem_shared>>) dst(%dma_wait3A_334 : memref<64xf32, #tpu.memory_space<vmem>>)
      %dma_wait3A_338 = arith.constant 2 : i32
      %dma_wait3A_339 = arith.constant 2 : i32
      %dma_wait3A_340 = arith.constant 0 : i32
      %dma_wait3A_341 = tpu.memref_slice %arg10[%dma_wait3A_339, %dma_wait3A_340] : memref<4x64xf32, #tpu.memory_space<vmem>> -> memref<1x64xf32, #tpu.memory_space<vmem>>
      %dma_wait3A_342 = tpu.memref_squeeze %dma_wait3A_341 : memref<1x64xf32, #tpu.memory_space<vmem>> -> memref<64xf32, #tpu.memory_space<vmem>>
      %dma_wait3A_343 = arith.constant 0 : i32
      %dma_wait3A_344 = tpu.memref_slice %arg9[%dma_wait3A_338, %dma_wait3A_343, %select_n3A_237] : memref<4x64x128xf32, #tpu.memory_space<vmem_shared>> -> memref<1x64x1xf32, #tpu.memory_space<vmem_shared>>
      %dma_wait3A_345 = tpu.memref_squeeze %dma_wait3A_344 : memref<1x64x1xf32, #tpu.memory_space<vmem_shared>> -> memref<64xf32, #tpu.memory_space<vmem_shared>>
      %dma_wait3A_346 = arith.constant 0 : i32
      %dma_wait3A_347 = tpu.memref_slice %arg10[%dma_wait3A_339, %dma_wait3A_346] : memref<4x64xf32, #tpu.memory_space<vmem>> -> memref<1x64xf32, #tpu.memory_space<vmem>>
      %dma_wait3A_348 = tpu.memref_squeeze %dma_wait3A_347 : memref<1x64xf32, #tpu.memory_space<vmem>> -> memref<64xf32, #tpu.memory_space<vmem>>
      %dma_wait3A_349 = arith.constant 0 : i32
      %dma_wait3A_350 = tpu.memref_slice %arg9[%dma_wait3A_338, %dma_wait3A_349, %select_n3A_237] : memref<4x64x128xf32, #tpu.memory_space<vmem_shared>> -> memref<1x64x1xf32, #tpu.memory_space<vmem_shared>>
      %dma_wait3A_351 = tpu.memref_squeeze %dma_wait3A_350 : memref<1x64x1xf32, #tpu.memory_space<vmem_shared>> -> memref<64xf32, #tpu.memory_space<vmem_shared>>
      tpu.wait_dma2 semaphore(%arg13 : memref<!tpu.dma_semaphore, #tpu.memory_space<semaphore_mem>>) src(%dma_wait3A_351 : memref<64xf32, #tpu.memory_space<vmem_shared>>) dst(%dma_wait3A_348 : memref<64xf32, #tpu.memory_space<vmem>>)
      %dma_wait3A_352 = arith.constant 3 : i32
      %dma_wait3A_353 = arith.constant 3 : i32
      %dma_wait3A_354 = arith.constant 0 : i32
      %dma_wait3A_355 = tpu.memref_slice %arg10[%dma_wait3A_353, %dma_wait3A_354] : memref<4x64xf32, #tpu.memory_space<vmem>> -> memref<1x64xf32, #tpu.memory_space<vmem>>
      %dma_wait3A_356 = tpu.memref_squeeze %dma_wait3A_355 : memref<1x64xf32, #tpu.memory_space<vmem>> -> memref<64xf32, #tpu.memory_space<vmem>>
      %dma_wait3A_357 = arith.constant 0 : i32
      %dma_wait3A_358 = tpu.memref_slice %arg9[%dma_wait3A_352, %dma_wait3A_357, %select_n3A_253] : memref<4x64x128xf32, #tpu.memory_space<vmem_shared>> -> memref<1x64x1xf32, #tpu.memory_space<vmem_shared>>
      %dma_wait3A_359 = tpu.memref_squeeze %dma_wait3A_358 : memref<1x64x1xf32, #tpu.memory_space<vmem_shared>> -> memref<64xf32, #tpu.memory_space<vmem_shared>>
      %dma_wait3A_360 = arith.constant 0 : i32
      %dma_wait3A_361 = tpu.memref_slice %arg10[%dma_wait3A_353, %dma_wait3A_360] : memref<4x64xf32, #tpu.memory_space<vmem>> -> memref<1x64xf32, #tpu.memory_space<vmem>>
      %dma_wait3A_362 = tpu.memref_squeeze %dma_wait3A_361 : memref<1x64xf32, #tpu.memory_space<vmem>> -> memref<64xf32, #tpu.memory_space<vmem>>
      %dma_wait3A_363 = arith.constant 0 : i32
      %dma_wait3A_364 = tpu.memref_slice %arg9[%dma_wait3A_352, %dma_wait3A_363, %select_n3A_253] : memref<4x64x128xf32, #tpu.memory_space<vmem_shared>> -> memref<1x64x1xf32, #tpu.memory_space<vmem_shared>>
      %dma_wait3A_365 = tpu.memref_squeeze %dma_wait3A_364 : memref<1x64x1xf32, #tpu.memory_space<vmem_shared>> -> memref<64xf32, #tpu.memory_space<vmem_shared>>
      tpu.wait_dma2 semaphore(%arg13 : memref<!tpu.dma_semaphore, #tpu.memory_space<semaphore_mem>>) src(%dma_wait3A_365 : memref<64xf32, #tpu.memory_space<vmem_shared>>) dst(%dma_wait3A_362 : memref<64xf32, #tpu.memory_space<vmem>>)
      %broadcast_in_dim3A = arith.constant 0.000000e+00 : f32
      %broadcast_in_dim3A_366 = vector.broadcast %broadcast_in_dim3A : f32 to vector<16xf32>
      %get3A_367 = arith.constant 0 : i32
      %get3A_368 = arith.index_cast %get3A_367 : i32 to index
      %get3A_369 = arith.constant 0 : index
      %get3A_370 = tpu.vector_load %arg10[%get3A_368, %get3A_369] {strides = array<i32>} : memref<4x64xf32, #tpu.memory_space<vmem>>, vector<1x16xf32>,
      %get3A_371 = vector.shape_cast %get3A_370 : vector<1x16xf32> to vector<16xf32>
      %get3A_372 = arith.constant 1 : i32
      %get3A_373 = arith.index_cast %get3A_372 : i32 to index
      %get3A_374 = arith.constant 0 : index
      %get3A_375 = tpu.vector_load %arg10[%get3A_373, %get3A_374] {strides = array<i32>} : memref<4x64xf32, #tpu.memory_space<vmem>>, vector<1x16xf32>,
      %get3A_376 = vector.shape_cast %get3A_375 : vector<1x16xf32> to vector<16xf32>
      %get3A_377 = arith.constant 2 : i32
      %get3A_378 = arith.index_cast %get3A_377 : i32 to index
      %get3A_379 = arith.constant 0 : index
      %get3A_380 = tpu.vector_load %arg10[%get3A_378, %get3A_379] {strides = array<i32>} : memref<4x64xf32, #tpu.memory_space<vmem>>, vector<1x16xf32>,
      %get3A_381 = vector.shape_cast %get3A_380 : vector<1x16xf32> to vector<16xf32>
      %get3A_382 = arith.constant 3 : i32
      %get3A_383 = arith.index_cast %get3A_382 : i32 to index
      %get3A_384 = arith.constant 0 : index
      %get3A_385 = tpu.vector_load %arg10[%get3A_383, %get3A_384] {strides = array<i32>} : memref<4x64xf32, #tpu.memory_space<vmem>>, vector<1x16xf32>,
      %get3A_386 = vector.shape_cast %get3A_385 : vector<1x16xf32> to vector<16xf32>
      %mul3A_387 = arith.mulf %get3A_371, %get3A_371 : vector<16xf32>
      %add3A_388 = arith.addf %broadcast_in_dim3A_366, %mul3A_387 : vector<16xf32>
      %mul3A_389 = arith.mulf %get3A_381, %get3A_381 : vector<16xf32>
      %add3A_390 = arith.addf %broadcast_in_dim3A_366, %mul3A_389 : vector<16xf32>
      %mul3A_391 = arith.mulf %get3A_386, %get3A_386 : vector<16xf32>
      %add3A_392 = arith.addf %broadcast_in_dim3A_366, %mul3A_391 : vector<16xf32>
      %get3A_393 = arith.constant 0 : i32
      %get3A_394 = arith.index_cast %get3A_393 : i32 to index
      %get3A_395 = arith.constant 16 : index
      %get3A_396 = tpu.vector_load %arg10[%get3A_394, %get3A_395] {strides = array<i32>} : memref<4x64xf32, #tpu.memory_space<vmem>>, vector<1x16xf32>,
      %get3A_397 = vector.shape_cast %get3A_396 : vector<1x16xf32> to vector<16xf32>
      %get3A_398 = arith.constant 1 : i32
      %get3A_399 = arith.index_cast %get3A_398 : i32 to index
      %get3A_400 = arith.constant 16 : index
      %get3A_401 = tpu.vector_load %arg10[%get3A_399, %get3A_400] {strides = array<i32>} : memref<4x64xf32, #tpu.memory_space<vmem>>, vector<1x16xf32>,
      %get3A_402 = vector.shape_cast %get3A_401 : vector<1x16xf32> to vector<16xf32>
      %get3A_403 = arith.constant 2 : i32
      %get3A_404 = arith.index_cast %get3A_403 : i32 to index
      %get3A_405 = arith.constant 16 : index
      %get3A_406 = tpu.vector_load %arg10[%get3A_404, %get3A_405] {strides = array<i32>} : memref<4x64xf32, #tpu.memory_space<vmem>>, vector<1x16xf32>,
      %get3A_407 = vector.shape_cast %get3A_406 : vector<1x16xf32> to vector<16xf32>
      %get3A_408 = arith.constant 3 : i32
      %get3A_409 = arith.index_cast %get3A_408 : i32 to index
      %get3A_410 = arith.constant 16 : index
      %get3A_411 = tpu.vector_load %arg10[%get3A_409, %get3A_410] {strides = array<i32>} : memref<4x64xf32, #tpu.memory_space<vmem>>, vector<1x16xf32>,
      %get3A_412 = vector.shape_cast %get3A_411 : vector<1x16xf32> to vector<16xf32>
      %mul3A_413 = arith.mulf %get3A_397, %get3A_397 : vector<16xf32>
      %add3A_414 = arith.addf %add3A_388, %mul3A_413 : vector<16xf32>
      %mul3A_415 = arith.mulf %get3A_407, %get3A_407 : vector<16xf32>
      %add3A_416 = arith.addf %add3A_390, %mul3A_415 : vector<16xf32>
      %mul3A_417 = arith.mulf %get3A_412, %get3A_412 : vector<16xf32>
      %add3A_418 = arith.addf %add3A_392, %mul3A_417 : vector<16xf32>
      %get3A_419 = arith.constant 0 : i32
      %get3A_420 = arith.index_cast %get3A_419 : i32 to index
      %get3A_421 = arith.constant 32 : index
      %get3A_422 = tpu.vector_load %arg10[%get3A_420, %get3A_421] {strides = array<i32>} : memref<4x64xf32, #tpu.memory_space<vmem>>, vector<1x16xf32>,
      %get3A_423 = vector.shape_cast %get3A_422 : vector<1x16xf32> to vector<16xf32>
      %get3A_424 = arith.constant 1 : i32
      %get3A_425 = arith.index_cast %get3A_424 : i32 to index
      %get3A_426 = arith.constant 32 : index
      %get3A_427 = tpu.vector_load %arg10[%get3A_425, %get3A_426] {strides = array<i32>} : memref<4x64xf32, #tpu.memory_space<vmem>>, vector<1x16xf32>,
      %get3A_428 = vector.shape_cast %get3A_427 : vector<1x16xf32> to vector<16xf32>
      %get3A_429 = arith.constant 2 : i32
      %get3A_430 = arith.index_cast %get3A_429 : i32 to index
      %get3A_431 = arith.constant 32 : index
      %get3A_432 = tpu.vector_load %arg10[%get3A_430, %get3A_431] {strides = array<i32>} : memref<4x64xf32, #tpu.memory_space<vmem>>, vector<1x16xf32>,
      %get3A_433 = vector.shape_cast %get3A_432 : vector<1x16xf32> to vector<16xf32>
      %get3A_434 = arith.constant 3 : i32
      %get3A_435 = arith.index_cast %get3A_434 : i32 to index
      %get3A_436 = arith.constant 32 : index
      %get3A_437 = tpu.vector_load %arg10[%get3A_435, %get3A_436] {strides = array<i32>} : memref<4x64xf32, #tpu.memory_space<vmem>>, vector<1x16xf32>,
      %get3A_438 = vector.shape_cast %get3A_437 : vector<1x16xf32> to vector<16xf32>
      %mul3A_439 = arith.mulf %get3A_423, %get3A_423 : vector<16xf32>
      %add3A_440 = arith.addf %add3A_414, %mul3A_439 : vector<16xf32>
      %mul3A_441 = arith.mulf %get3A_433, %get3A_433 : vector<16xf32>
      %add3A_442 = arith.addf %add3A_416, %mul3A_441 : vector<16xf32>
      %mul3A_443 = arith.mulf %get3A_438, %get3A_438 : vector<16xf32>
      %add3A_444 = arith.addf %add3A_418, %mul3A_443 : vector<16xf32>
      %get3A_445 = arith.constant 0 : i32
      %get3A_446 = arith.index_cast %get3A_445 : i32 to index
      %get3A_447 = arith.constant 48 : index
      %get3A_448 = tpu.vector_load %arg10[%get3A_446, %get3A_447] {strides = array<i32>} : memref<4x64xf32, #tpu.memory_space<vmem>>, vector<1x16xf32>,
      %get3A_449 = vector.shape_cast %get3A_448 : vector<1x16xf32> to vector<16xf32>
      %get3A_450 = arith.constant 1 : i32
      %get3A_451 = arith.index_cast %get3A_450 : i32 to index
      %get3A_452 = arith.constant 48 : index
      %get3A_453 = tpu.vector_load %arg10[%get3A_451, %get3A_452] {strides = array<i32>} : memref<4x64xf32, #tpu.memory_space<vmem>>, vector<1x16xf32>,
      %get3A_454 = vector.shape_cast %get3A_453 : vector<1x16xf32> to vector<16xf32>
      %get3A_455 = arith.constant 2 : i32
      %get3A_456 = arith.index_cast %get3A_455 : i32 to index
      %get3A_457 = arith.constant 48 : index
      %get3A_458 = tpu.vector_load %arg10[%get3A_456, %get3A_457] {strides = array<i32>} : memref<4x64xf32, #tpu.memory_space<vmem>>, vector<1x16xf32>,
      %get3A_459 = vector.shape_cast %get3A_458 : vector<1x16xf32> to vector<16xf32>
      %get3A_460 = arith.constant 3 : i32
      %get3A_461 = arith.index_cast %get3A_460 : i32 to index
      %get3A_462 = arith.constant 48 : index
      %get3A_463 = tpu.vector_load %arg10[%get3A_461, %get3A_462] {strides = array<i32>} : memref<4x64xf32, #tpu.memory_space<vmem>>, vector<1x16xf32>,
      %get3A_464 = vector.shape_cast %get3A_463 : vector<1x16xf32> to vector<16xf32>
      %mul3A_465 = arith.mulf %get3A_449, %get3A_449 : vector<16xf32>
      %add3A_466 = arith.addf %add3A_440, %mul3A_465 : vector<16xf32>
      %mul3A_467 = arith.mulf %get3A_459, %get3A_459 : vector<16xf32>
      %add3A_468 = arith.addf %add3A_442, %mul3A_467 : vector<16xf32>
      %mul3A_469 = arith.mulf %get3A_464, %get3A_464 : vector<16xf32>
      %add3A_470 = arith.addf %add3A_444, %mul3A_469 : vector<16xf32>
      %broadcast_in_dim3A_471 = arith.constant 1.000000e-30 : f32
      %broadcast_in_dim3A_472 = vector.broadcast %broadcast_in_dim3A_471 : f32 to vector<16xf32>
      %broadcast_in_dim3A_473 = arith.constant 9.99999996E-13 : f32
      %broadcast_in_dim3A_474 = vector.broadcast %broadcast_in_dim3A_473 : f32 to vector<16xf32>
      %broadcast_in_dim3A_475 = arith.constant 1.000000e+00 : f32
      %broadcast_in_dim3A_476 = vector.broadcast %broadcast_in_dim3A_475 : f32 to vector<16xf32>
      %iota3A = tpu.iota {dimensions = array<i32: 0>} : vector<16xi32>
      %broadcast_in_dim3A_477 = arith.constant 8 : i32
      %broadcast_in_dim3A_478 = vector.broadcast %broadcast_in_dim3A_477 : i32 to vector<16xi32>
      %xor3A = arith.xori %iota3A, %broadcast_in_dim3A_478 : vector<16xi32>
      %lt3A_479 = arith.constant 0 : i32
      %lt3A_480 = vector.broadcast %lt3A_479 : i32 to vector<16xi32>
      %lt3A_481 = arith.cmpi slt, %xor3A, %lt3A_480 : vector<16xi32>
      %add3A_482 = arith.constant 16 : i32
      %add3A_483 = vector.broadcast %add3A_482 : i32 to vector<16xi32>
      %add3A_484 = arith.addi %xor3A, %add3A_483 : vector<16xi32>
      %select_n3A_485 = arith.select %lt3A_481, %add3A_484, %xor3A : vector<16xi1>, vector<16xi32>
      %broadcast_in_dim3A_486 = vector.shape_cast %select_n3A_485 : vector<16xi32> to vector<16x1xi32>
      %gather3A = vector.shape_cast %broadcast_in_dim3A_486 : vector<16x1xi32> to vector<16xi32>
      %gather3A_487 = tpu.dynamic_gather %add3A_466[%gather3A] in [0] : vector<16xf32>, vector<16xi32> -> vector<16xf32>
      %add3A_488 = arith.addf %add3A_466, %gather3A_487 : vector<16xf32>
      %broadcast_in_dim3A_489 = arith.constant 4 : i32
      %broadcast_in_dim3A_490 = vector.broadcast %broadcast_in_dim3A_489 : i32 to vector<16xi32>
      %xor3A_491 = arith.xori %iota3A, %broadcast_in_dim3A_490 : vector<16xi32>
      %lt3A_492 = arith.constant 0 : i32
      %lt3A_493 = vector.broadcast %lt3A_492 : i32 to vector<16xi32>
      %lt3A_494 = arith.cmpi slt, %xor3A_491, %lt3A_493 : vector<16xi32>
      %add3A_495 = arith.constant 16 : i32
      %add3A_496 = vector.broadcast %add3A_495 : i32 to vector<16xi32>
      %add3A_497 = arith.addi %xor3A_491, %add3A_496 : vector<16xi32>
      %select_n3A_498 = arith.select %lt3A_494, %add3A_497, %xor3A_491 : vector<16xi1>, vector<16xi32>
      %broadcast_in_dim3A_499 = vector.shape_cast %select_n3A_498 : vector<16xi32> to vector<16x1xi32>
      %gather3A_500 = vector.shape_cast %broadcast_in_dim3A_499 : vector<16x1xi32> to vector<16xi32>
      %gather3A_501 = tpu.dynamic_gather %add3A_488[%gather3A_500] in [0] : vector<16xf32>, vector<16xi32> -> vector<16xf32>
      %add3A_502 = arith.addf %add3A_488, %gather3A_501 : vector<16xf32>
      %broadcast_in_dim3A_503 = arith.constant 2 : i32
      %broadcast_in_dim3A_504 = vector.broadcast %broadcast_in_dim3A_503 : i32 to vector<16xi32>
      %xor3A_505 = arith.xori %iota3A, %broadcast_in_dim3A_504 : vector<16xi32>
      %lt3A_506 = arith.constant 0 : i32
      %lt3A_507 = vector.broadcast %lt3A_506 : i32 to vector<16xi32>
      %lt3A_508 = arith.cmpi slt, %xor3A_505, %lt3A_507 : vector<16xi32>
      %add3A_509 = arith.constant 16 : i32
      %add3A_510 = vector.broadcast %add3A_509 : i32 to vector<16xi32>
      %add3A_511 = arith.addi %xor3A_505, %add3A_510 : vector<16xi32>
      %select_n3A_512 = arith.select %lt3A_508, %add3A_511, %xor3A_505 : vector<16xi1>, vector<16xi32>
      %broadcast_in_dim3A_513 = vector.shape_cast %select_n3A_512 : vector<16xi32> to vector<16x1xi32>
      %gather3A_514 = vector.shape_cast %broadcast_in_dim3A_513 : vector<16x1xi32> to vector<16xi32>
      %gather3A_515 = tpu.dynamic_gather %add3A_502[%gather3A_514] in [0] : vector<16xf32>, vector<16xi32> -> vector<16xf32>
      %add3A_516 = arith.addf %add3A_502, %gather3A_515 : vector<16xf32>
      %broadcast_in_dim3A_517 = arith.constant 1 : i32
      %broadcast_in_dim3A_518 = vector.broadcast %broadcast_in_dim3A_517 : i32 to vector<16xi32>
      %xor3A_519 = arith.xori %iota3A, %broadcast_in_dim3A_518 : vector<16xi32>
      %lt3A_520 = arith.constant 0 : i32
      %lt3A_521 = vector.broadcast %lt3A_520 : i32 to vector<16xi32>
      %lt3A_522 = arith.cmpi slt, %xor3A_519, %lt3A_521 : vector<16xi32>
      %add3A_523 = arith.constant 16 : i32
      %add3A_524 = vector.broadcast %add3A_523 : i32 to vector<16xi32>
      %add3A_525 = arith.addi %xor3A_519, %add3A_524 : vector<16xi32>
      %select_n3A_526 = arith.select %lt3A_522, %add3A_525, %xor3A_519 : vector<16xi1>, vector<16xi32>
      %broadcast_in_dim3A_527 = vector.shape_cast %select_n3A_526 : vector<16xi32> to vector<16x1xi32>
      %gather3A_528 = vector.shape_cast %broadcast_in_dim3A_527 : vector<16x1xi32> to vector<16xi32>
      %gather3A_529 = tpu.dynamic_gather %add3A_516[%gather3A_528] in [0] : vector<16xf32>, vector<16xi32> -> vector<16xf32>
      %add3A_530 = arith.addf %add3A_516, %gather3A_529 : vector<16xf32>
      %max3A = arith.maximumf %add3A_530, %broadcast_in_dim3A_472 : vector<16xf32>
      %bitcast_convert_type3A = tpu.bitcast %max3A : vector<16xf32> -> vector<16xi32>
      %broadcast_in_dim3A_531 = arith.constant 1597463007 : i32
      %broadcast_in_dim3A_532 = vector.broadcast %broadcast_in_dim3A_531 : i32 to vector<16xi32>
      %broadcast_in_dim3A_533 = arith.constant 1 : i32
      %broadcast_in_dim3A_534 = vector.broadcast %broadcast_in_dim3A_533 : i32 to vector<16xi32>
      %shift_right_arithmetic3A = arith.shrsi %bitcast_convert_type3A, %broadcast_in_dim3A_534 : vector<16xi32>
      %sub3A_535 = arith.subi %broadcast_in_dim3A_532, %shift_right_arithmetic3A : vector<16xi32>
      %bitcast_convert_type3A_536 = tpu.bitcast %sub3A_535 : vector<16xi32> -> vector<16xf32>
      %broadcast_in_dim3A_537 = arith.constant 5.000000e-01 : f32
      %broadcast_in_dim3A_538 = vector.broadcast %broadcast_in_dim3A_537 : f32 to vector<16xf32>
      %mul3A_539 = arith.mulf %broadcast_in_dim3A_538, %max3A : vector<16xf32>
      %broadcast_in_dim3A_540 = arith.constant 1.500000e+00 : f32
      %broadcast_in_dim3A_541 = vector.broadcast %broadcast_in_dim3A_540 : f32 to vector<16xf32>
      %mul3A_542 = arith.mulf %mul3A_539, %bitcast_convert_type3A_536 : vector<16xf32>
      %mul3A_543 = arith.mulf %mul3A_542, %bitcast_convert_type3A_536 : vector<16xf32>
      %sub3A_544 = arith.subf %broadcast_in_dim3A_541, %mul3A_543 : vector<16xf32>
      %mul3A_545 = arith.mulf %bitcast_convert_type3A_536, %sub3A_544 : vector<16xf32>
      %mul3A_546 = arith.mulf %mul3A_539, %mul3A_545 : vector<16xf32>
      %mul3A_547 = arith.mulf %mul3A_546, %mul3A_545 : vector<16xf32>
      %sub3A_548 = arith.subf %broadcast_in_dim3A_541, %mul3A_547 : vector<16xf32>
      %mul3A_549 = arith.mulf %mul3A_545, %sub3A_548 : vector<16xf32>
      %mul3A_550 = arith.mulf %mul3A_539, %mul3A_549 : vector<16xf32>
      %mul3A_551 = arith.mulf %mul3A_550, %mul3A_549 : vector<16xf32>
      %sub3A_552 = arith.subf %broadcast_in_dim3A_541, %mul3A_551 : vector<16xf32>
      %mul3A_553 = arith.mulf %mul3A_549, %sub3A_552 : vector<16xf32>
      %mul3A_554 = arith.mulf %mul3A_539, %mul3A_553 : vector<16xf32>
      %mul3A_555 = arith.mulf %mul3A_554, %mul3A_553 : vector<16xf32>
      %sub3A_556 = arith.subf %broadcast_in_dim3A_541, %mul3A_555 : vector<16xf32>
      %mul3A_557 = arith.mulf %mul3A_553, %sub3A_556 : vector<16xf32>
      %mul3A_558 = arith.mulf %add3A_530, %mul3A_557 : vector<16xf32>
      %max3A_559 = arith.maximumf %mul3A_558, %broadcast_in_dim3A_474 : vector<16xf32>
      %div3A_560 = arith.divf %broadcast_in_dim3A_476, %max3A_559 : vector<16xf32>
      %iota3A_561 = tpu.iota {dimensions = array<i32: 0>} : vector<16xi32>
      %broadcast_in_dim3A_562 = arith.constant 8 : i32
      %broadcast_in_dim3A_563 = vector.broadcast %broadcast_in_dim3A_562 : i32 to vector<16xi32>
      %xor3A_564 = arith.xori %iota3A_561, %broadcast_in_dim3A_563 : vector<16xi32>
      %lt3A_565 = arith.constant 0 : i32
      %lt3A_566 = vector.broadcast %lt3A_565 : i32 to vector<16xi32>
      %lt3A_567 = arith.cmpi slt, %xor3A_564, %lt3A_566 : vector<16xi32>
      %add3A_568 = arith.constant 16 : i32
      %add3A_569 = vector.broadcast %add3A_568 : i32 to vector<16xi32>
      %add3A_570 = arith.addi %xor3A_564, %add3A_569 : vector<16xi32>
      %select_n3A_571 = arith.select %lt3A_567, %add3A_570, %xor3A_564 : vector<16xi1>, vector<16xi32>
      %broadcast_in_dim3A_572 = vector.shape_cast %select_n3A_571 : vector<16xi32> to vector<16x1xi32>
      %gather3A_573 = vector.shape_cast %broadcast_in_dim3A_572 : vector<16x1xi32> to vector<16xi32>
      %gather3A_574 = tpu.dynamic_gather %add3A_468[%gather3A_573] in [0] : vector<16xf32>, vector<16xi32> -> vector<16xf32>
      %add3A_575 = arith.addf %add3A_468, %gather3A_574 : vector<16xf32>
      %broadcast_in_dim3A_576 = arith.constant 4 : i32
      %broadcast_in_dim3A_577 = vector.broadcast %broadcast_in_dim3A_576 : i32 to vector<16xi32>
      %xor3A_578 = arith.xori %iota3A_561, %broadcast_in_dim3A_577 : vector<16xi32>
      %lt3A_579 = arith.constant 0 : i32
      %lt3A_580 = vector.broadcast %lt3A_579 : i32 to vector<16xi32>
      %lt3A_581 = arith.cmpi slt, %xor3A_578, %lt3A_580 : vector<16xi32>
      %add3A_582 = arith.constant 16 : i32
      %add3A_583 = vector.broadcast %add3A_582 : i32 to vector<16xi32>
      %add3A_584 = arith.addi %xor3A_578, %add3A_583 : vector<16xi32>
      %select_n3A_585 = arith.select %lt3A_581, %add3A_584, %xor3A_578 : vector<16xi1>, vector<16xi32>
      %broadcast_in_dim3A_586 = vector.shape_cast %select_n3A_585 : vector<16xi32> to vector<16x1xi32>
      %gather3A_587 = vector.shape_cast %broadcast_in_dim3A_586 : vector<16x1xi32> to vector<16xi32>
      %gather3A_588 = tpu.dynamic_gather %add3A_575[%gather3A_587] in [0] : vector<16xf32>, vector<16xi32> -> vector<16xf32>
      %add3A_589 = arith.addf %add3A_575, %gather3A_588 : vector<16xf32>
      %broadcast_in_dim3A_590 = arith.constant 2 : i32
      %broadcast_in_dim3A_591 = vector.broadcast %broadcast_in_dim3A_590 : i32 to vector<16xi32>
      %xor3A_592 = arith.xori %iota3A_561, %broadcast_in_dim3A_591 : vector<16xi32>
      %lt3A_593 = arith.constant 0 : i32
      %lt3A_594 = vector.broadcast %lt3A_593 : i32 to vector<16xi32>
      %lt3A_595 = arith.cmpi slt, %xor3A_592, %lt3A_594 : vector<16xi32>
      %add3A_596 = arith.constant 16 : i32
      %add3A_597 = vector.broadcast %add3A_596 : i32 to vector<16xi32>
      %add3A_598 = arith.addi %xor3A_592, %add3A_597 : vector<16xi32>
      %select_n3A_599 = arith.select %lt3A_595, %add3A_598, %xor3A_592 : vector<16xi1>, vector<16xi32>
      %broadcast_in_dim3A_600 = vector.shape_cast %select_n3A_599 : vector<16xi32> to vector<16x1xi32>
      %gather3A_601 = vector.shape_cast %broadcast_in_dim3A_600 : vector<16x1xi32> to vector<16xi32>
      %gather3A_602 = tpu.dynamic_gather %add3A_589[%gather3A_601] in [0] : vector<16xf32>, vector<16xi32> -> vector<16xf32>
      %add3A_603 = arith.addf %add3A_589, %gather3A_602 : vector<16xf32>
      %broadcast_in_dim3A_604 = arith.constant 1 : i32
      %broadcast_in_dim3A_605 = vector.broadcast %broadcast_in_dim3A_604 : i32 to vector<16xi32>
      %xor3A_606 = arith.xori %iota3A_561, %broadcast_in_dim3A_605 : vector<16xi32>
      %lt3A_607 = arith.constant 0 : i32
      %lt3A_608 = vector.broadcast %lt3A_607 : i32 to vector<16xi32>
      %lt3A_609 = arith.cmpi slt, %xor3A_606, %lt3A_608 : vector<16xi32>
      %add3A_610 = arith.constant 16 : i32
      %add3A_611 = vector.broadcast %add3A_610 : i32 to vector<16xi32>
      %add3A_612 = arith.addi %xor3A_606, %add3A_611 : vector<16xi32>
      %select_n3A_613 = arith.select %lt3A_609, %add3A_612, %xor3A_606 : vector<16xi1>, vector<16xi32>
      %broadcast_in_dim3A_614 = vector.shape_cast %select_n3A_613 : vector<16xi32> to vector<16x1xi32>
      %gather3A_615 = vector.shape_cast %broadcast_in_dim3A_614 : vector<16x1xi32> to vector<16xi32>
      %gather3A_616 = tpu.dynamic_gather %add3A_603[%gather3A_615] in [0] : vector<16xf32>, vector<16xi32> -> vector<16xf32>
      %add3A_617 = arith.addf %add3A_603, %gather3A_616 : vector<16xf32>
      %max3A_618 = arith.maximumf %add3A_617, %broadcast_in_dim3A_472 : vector<16xf32>
      %bitcast_convert_type3A_619 = tpu.bitcast %max3A_618 : vector<16xf32> -> vector<16xi32>
      %broadcast_in_dim3A_620 = arith.constant 1597463007 : i32
      %broadcast_in_dim3A_621 = vector.broadcast %broadcast_in_dim3A_620 : i32 to vector<16xi32>
      %broadcast_in_dim3A_622 = arith.constant 1 : i32
      %broadcast_in_dim3A_623 = vector.broadcast %broadcast_in_dim3A_622 : i32 to vector<16xi32>
      %shift_right_arithmetic3A_624 = arith.shrsi %bitcast_convert_type3A_619, %broadcast_in_dim3A_623 : vector<16xi32>
      %sub3A_625 = arith.subi %broadcast_in_dim3A_621, %shift_right_arithmetic3A_624 : vector<16xi32>
      %bitcast_convert_type3A_626 = tpu.bitcast %sub3A_625 : vector<16xi32> -> vector<16xf32>
      %broadcast_in_dim3A_627 = arith.constant 5.000000e-01 : f32
      %broadcast_in_dim3A_628 = vector.broadcast %broadcast_in_dim3A_627 : f32 to vector<16xf32>
      %mul3A_629 = arith.mulf %broadcast_in_dim3A_628, %max3A_618 : vector<16xf32>
      %broadcast_in_dim3A_630 = arith.constant 1.500000e+00 : f32
      %broadcast_in_dim3A_631 = vector.broadcast %broadcast_in_dim3A_630 : f32 to vector<16xf32>
      %mul3A_632 = arith.mulf %mul3A_629, %bitcast_convert_type3A_626 : vector<16xf32>
      %mul3A_633 = arith.mulf %mul3A_632, %bitcast_convert_type3A_626 : vector<16xf32>
      %sub3A_634 = arith.subf %broadcast_in_dim3A_631, %mul3A_633 : vector<16xf32>
      %mul3A_635 = arith.mulf %bitcast_convert_type3A_626, %sub3A_634 : vector<16xf32>
      %mul3A_636 = arith.mulf %mul3A_629, %mul3A_635 : vector<16xf32>
      %mul3A_637 = arith.mulf %mul3A_636, %mul3A_635 : vector<16xf32>
      %sub3A_638 = arith.subf %broadcast_in_dim3A_631, %mul3A_637 : vector<16xf32>
      %mul3A_639 = arith.mulf %mul3A_635, %sub3A_638 : vector<16xf32>
      %mul3A_640 = arith.mulf %mul3A_629, %mul3A_639 : vector<16xf32>
      %mul3A_641 = arith.mulf %mul3A_640, %mul3A_639 : vector<16xf32>
      %sub3A_642 = arith.subf %broadcast_in_dim3A_631, %mul3A_641 : vector<16xf32>
      %mul3A_643 = arith.mulf %mul3A_639, %sub3A_642 : vector<16xf32>
      %mul3A_644 = arith.mulf %mul3A_629, %mul3A_643 : vector<16xf32>
      %mul3A_645 = arith.mulf %mul3A_644, %mul3A_643 : vector<16xf32>
      %sub3A_646 = arith.subf %broadcast_in_dim3A_631, %mul3A_645 : vector<16xf32>
      %mul3A_647 = arith.mulf %mul3A_643, %sub3A_646 : vector<16xf32>
      %mul3A_648 = arith.mulf %add3A_617, %mul3A_647 : vector<16xf32>
      %max3A_649 = arith.maximumf %mul3A_648, %broadcast_in_dim3A_474 : vector<16xf32>
      %div3A_650 = arith.divf %broadcast_in_dim3A_476, %max3A_649 : vector<16xf32>
      %iota3A_651 = tpu.iota {dimensions = array<i32: 0>} : vector<16xi32>
      %broadcast_in_dim3A_652 = arith.constant 8 : i32
      %broadcast_in_dim3A_653 = vector.broadcast %broadcast_in_dim3A_652 : i32 to vector<16xi32>
      %xor3A_654 = arith.xori %iota3A_651, %broadcast_in_dim3A_653 : vector<16xi32>
      %lt3A_655 = arith.constant 0 : i32
      %lt3A_656 = vector.broadcast %lt3A_655 : i32 to vector<16xi32>
      %lt3A_657 = arith.cmpi slt, %xor3A_654, %lt3A_656 : vector<16xi32>
      %add3A_658 = arith.constant 16 : i32
      %add3A_659 = vector.broadcast %add3A_658 : i32 to vector<16xi32>
      %add3A_660 = arith.addi %xor3A_654, %add3A_659 : vector<16xi32>
      %select_n3A_661 = arith.select %lt3A_657, %add3A_660, %xor3A_654 : vector<16xi1>, vector<16xi32>
      %broadcast_in_dim3A_662 = vector.shape_cast %select_n3A_661 : vector<16xi32> to vector<16x1xi32>
      %gather3A_663 = vector.shape_cast %broadcast_in_dim3A_662 : vector<16x1xi32> to vector<16xi32>
      %gather3A_664 = tpu.dynamic_gather %add3A_470[%gather3A_663] in [0] : vector<16xf32>, vector<16xi32> -> vector<16xf32>
      %add3A_665 = arith.addf %add3A_470, %gather3A_664 : vector<16xf32>
      %broadcast_in_dim3A_666 = arith.constant 4 : i32
      %broadcast_in_dim3A_667 = vector.broadcast %broadcast_in_dim3A_666 : i32 to vector<16xi32>
      %xor3A_668 = arith.xori %iota3A_651, %broadcast_in_dim3A_667 : vector<16xi32>
      %lt3A_669 = arith.constant 0 : i32
      %lt3A_670 = vector.broadcast %lt3A_669 : i32 to vector<16xi32>
      %lt3A_671 = arith.cmpi slt, %xor3A_668, %lt3A_670 : vector<16xi32>
      %add3A_672 = arith.constant 16 : i32
      %add3A_673 = vector.broadcast %add3A_672 : i32 to vector<16xi32>
      %add3A_674 = arith.addi %xor3A_668, %add3A_673 : vector<16xi32>
      %select_n3A_675 = arith.select %lt3A_671, %add3A_674, %xor3A_668 : vector<16xi1>, vector<16xi32>
      %broadcast_in_dim3A_676 = vector.shape_cast %select_n3A_675 : vector<16xi32> to vector<16x1xi32>
      %gather3A_677 = vector.shape_cast %broadcast_in_dim3A_676 : vector<16x1xi32> to vector<16xi32>
      %gather3A_678 = tpu.dynamic_gather %add3A_665[%gather3A_677] in [0] : vector<16xf32>, vector<16xi32> -> vector<16xf32>
      %add3A_679 = arith.addf %add3A_665, %gather3A_678 : vector<16xf32>
      %broadcast_in_dim3A_680 = arith.constant 2 : i32
      %broadcast_in_dim3A_681 = vector.broadcast %broadcast_in_dim3A_680 : i32 to vector<16xi32>
      %xor3A_682 = arith.xori %iota3A_651, %broadcast_in_dim3A_681 : vector<16xi32>
      %lt3A_683 = arith.constant 0 : i32
      %lt3A_684 = vector.broadcast %lt3A_683 : i32 to vector<16xi32>
      %lt3A_685 = arith.cmpi slt, %xor3A_682, %lt3A_684 : vector<16xi32>
      %add3A_686 = arith.constant 16 : i32
      %add3A_687 = vector.broadcast %add3A_686 : i32 to vector<16xi32>
      %add3A_688 = arith.addi %xor3A_682, %add3A_687 : vector<16xi32>
      %select_n3A_689 = arith.select %lt3A_685, %add3A_688, %xor3A_682 : vector<16xi1>, vector<16xi32>
      %broadcast_in_dim3A_690 = vector.shape_cast %select_n3A_689 : vector<16xi32> to vector<16x1xi32>
      %gather3A_691 = vector.shape_cast %broadcast_in_dim3A_690 : vector<16x1xi32> to vector<16xi32>
      %gather3A_692 = tpu.dynamic_gather %add3A_679[%gather3A_691] in [0] : vector<16xf32>, vector<16xi32> -> vector<16xf32>
      %add3A_693 = arith.addf %add3A_679, %gather3A_692 : vector<16xf32>
      %broadcast_in_dim3A_694 = arith.constant 1 : i32
      %broadcast_in_dim3A_695 = vector.broadcast %broadcast_in_dim3A_694 : i32 to vector<16xi32>
      %xor3A_696 = arith.xori %iota3A_651, %broadcast_in_dim3A_695 : vector<16xi32>
      %lt3A_697 = arith.constant 0 : i32
      %lt3A_698 = vector.broadcast %lt3A_697 : i32 to vector<16xi32>
      %lt3A_699 = arith.cmpi slt, %xor3A_696, %lt3A_698 : vector<16xi32>
      %add3A_700 = arith.constant 16 : i32
      %add3A_701 = vector.broadcast %add3A_700 : i32 to vector<16xi32>
      %add3A_702 = arith.addi %xor3A_696, %add3A_701 : vector<16xi32>
      %select_n3A_703 = arith.select %lt3A_699, %add3A_702, %xor3A_696 : vector<16xi1>, vector<16xi32>
      %broadcast_in_dim3A_704 = vector.shape_cast %select_n3A_703 : vector<16xi32> to vector<16x1xi32>
      %gather3A_705 = vector.shape_cast %broadcast_in_dim3A_704 : vector<16x1xi32> to vector<16xi32>
      %gather3A_706 = tpu.dynamic_gather %add3A_693[%gather3A_705] in [0] : vector<16xf32>, vector<16xi32> -> vector<16xf32>
      %add3A_707 = arith.addf %add3A_693, %gather3A_706 : vector<16xf32>
      %max3A_708 = arith.maximumf %add3A_707, %broadcast_in_dim3A_472 : vector<16xf32>
      %bitcast_convert_type3A_709 = tpu.bitcast %max3A_708 : vector<16xf32> -> vector<16xi32>
      %broadcast_in_dim3A_710 = arith.constant 1597463007 : i32
      %broadcast_in_dim3A_711 = vector.broadcast %broadcast_in_dim3A_710 : i32 to vector<16xi32>
      %broadcast_in_dim3A_712 = arith.constant 1 : i32
      %broadcast_in_dim3A_713 = vector.broadcast %broadcast_in_dim3A_712 : i32 to vector<16xi32>
      %shift_right_arithmetic3A_714 = arith.shrsi %bitcast_convert_type3A_709, %broadcast_in_dim3A_713 : vector<16xi32>
      %sub3A_715 = arith.subi %broadcast_in_dim3A_711, %shift_right_arithmetic3A_714 : vector<16xi32>
      %bitcast_convert_type3A_716 = tpu.bitcast %sub3A_715 : vector<16xi32> -> vector<16xf32>
      %broadcast_in_dim3A_717 = arith.constant 5.000000e-01 : f32
      %broadcast_in_dim3A_718 = vector.broadcast %broadcast_in_dim3A_717 : f32 to vector<16xf32>
      %mul3A_719 = arith.mulf %broadcast_in_dim3A_718, %max3A_708 : vector<16xf32>
      %broadcast_in_dim3A_720 = arith.constant 1.500000e+00 : f32
      %broadcast_in_dim3A_721 = vector.broadcast %broadcast_in_dim3A_720 : f32 to vector<16xf32>
      %mul3A_722 = arith.mulf %mul3A_719, %bitcast_convert_type3A_716 : vector<16xf32>
      %mul3A_723 = arith.mulf %mul3A_722, %bitcast_convert_type3A_716 : vector<16xf32>
      %sub3A_724 = arith.subf %broadcast_in_dim3A_721, %mul3A_723 : vector<16xf32>
      %mul3A_725 = arith.mulf %bitcast_convert_type3A_716, %sub3A_724 : vector<16xf32>
      %mul3A_726 = arith.mulf %mul3A_719, %mul3A_725 : vector<16xf32>
      %mul3A_727 = arith.mulf %mul3A_726, %mul3A_725 : vector<16xf32>
      %sub3A_728 = arith.subf %broadcast_in_dim3A_721, %mul3A_727 : vector<16xf32>
      %mul3A_729 = arith.mulf %mul3A_725, %sub3A_728 : vector<16xf32>
      %mul3A_730 = arith.mulf %mul3A_719, %mul3A_729 : vector<16xf32>
      %mul3A_731 = arith.mulf %mul3A_730, %mul3A_729 : vector<16xf32>
      %sub3A_732 = arith.subf %broadcast_in_dim3A_721, %mul3A_731 : vector<16xf32>
      %mul3A_733 = arith.mulf %mul3A_729, %sub3A_732 : vector<16xf32>
      %mul3A_734 = arith.mulf %mul3A_719, %mul3A_733 : vector<16xf32>
      %mul3A_735 = arith.mulf %mul3A_734, %mul3A_733 : vector<16xf32>
      %sub3A_736 = arith.subf %broadcast_in_dim3A_721, %mul3A_735 : vector<16xf32>
      %mul3A_737 = arith.mulf %mul3A_733, %sub3A_736 : vector<16xf32>
      %mul3A_738 = arith.mulf %add3A_707, %mul3A_737 : vector<16xf32>
      %max3A_739 = arith.maximumf %mul3A_738, %broadcast_in_dim3A_474 : vector<16xf32>
      %div3A_740 = arith.divf %broadcast_in_dim3A_476, %max3A_739 : vector<16xf32>
      %mul3A_741 = arith.mulf %get3A_381, %div3A_650 : vector<16xf32>
      %sub3A_742 = arith.subf %get3A_376, %mul3A_741 : vector<16xf32>
      %mul3A_743 = arith.mulf %get3A_371, %div3A_560 : vector<16xf32>
      %add3A_744 = arith.addf %mul3A_743, %sub3A_742 : vector<16xf32>
      %mul3A_745 = arith.mulf %get3A_386, %div3A_740 : vector<16xf32>
      %add3A_746 = arith.addf %mul3A_745, %sub3A_742 : vector<16xf32>
      %mul3A_747 = arith.mulf %add3A_744, %add3A_744 : vector<16xf32>
      %add3A_748 = arith.addf %broadcast_in_dim3A_366, %mul3A_747 : vector<16xf32>
      %mul3A_749 = arith.mulf %add3A_746, %add3A_746 : vector<16xf32>
      %add3A_750 = arith.addf %broadcast_in_dim3A_366, %mul3A_749 : vector<16xf32>
      %mul3A_751 = arith.mulf %get3A_407, %div3A_650 : vector<16xf32>
      %sub3A_752 = arith.subf %get3A_402, %mul3A_751 : vector<16xf32>
      %mul3A_753 = arith.mulf %get3A_397, %div3A_560 : vector<16xf32>
      %add3A_754 = arith.addf %mul3A_753, %sub3A_752 : vector<16xf32>
      %mul3A_755 = arith.mulf %get3A_412, %div3A_740 : vector<16xf32>
      %add3A_756 = arith.addf %mul3A_755, %sub3A_752 : vector<16xf32>
      %mul3A_757 = arith.mulf %add3A_754, %add3A_754 : vector<16xf32>
      %add3A_758 = arith.addf %add3A_748, %mul3A_757 : vector<16xf32>
      %mul3A_759 = arith.mulf %add3A_756, %add3A_756 : vector<16xf32>
      %add3A_760 = arith.addf %add3A_750, %mul3A_759 : vector<16xf32>
      %mul3A_761 = arith.mulf %get3A_433, %div3A_650 : vector<16xf32>
      %sub3A_762 = arith.subf %get3A_428, %mul3A_761 : vector<16xf32>
      %mul3A_763 = arith.mulf %get3A_423, %div3A_560 : vector<16xf32>
      %add3A_764 = arith.addf %mul3A_763, %sub3A_762 : vector<16xf32>
      %mul3A_765 = arith.mulf %get3A_438, %div3A_740 : vector<16xf32>
      %add3A_766 = arith.addf %mul3A_765, %sub3A_762 : vector<16xf32>
      %mul3A_767 = arith.mulf %add3A_764, %add3A_764 : vector<16xf32>
      %add3A_768 = arith.addf %add3A_758, %mul3A_767 : vector<16xf32>
      %mul3A_769 = arith.mulf %add3A_766, %add3A_766 : vector<16xf32>
      %add3A_770 = arith.addf %add3A_760, %mul3A_769 : vector<16xf32>
      %mul3A_771 = arith.mulf %get3A_459, %div3A_650 : vector<16xf32>
      %sub3A_772 = arith.subf %get3A_454, %mul3A_771 : vector<16xf32>
      %mul3A_773 = arith.mulf %get3A_449, %div3A_560 : vector<16xf32>
      %add3A_774 = arith.addf %mul3A_773, %sub3A_772 : vector<16xf32>
      %mul3A_775 = arith.mulf %get3A_464, %div3A_740 : vector<16xf32>
      %add3A_776 = arith.addf %mul3A_775, %sub3A_772 : vector<16xf32>
      %mul3A_777 = arith.mulf %add3A_774, %add3A_774 : vector<16xf32>
      %add3A_778 = arith.addf %add3A_768, %mul3A_777 : vector<16xf32>
      %mul3A_779 = arith.mulf %add3A_776, %add3A_776 : vector<16xf32>
      %add3A_780 = arith.addf %add3A_770, %mul3A_779 : vector<16xf32>
      %iota3A_781 = tpu.iota {dimensions = array<i32: 0>} : vector<16xi32>
      %broadcast_in_dim3A_782 = arith.constant 8 : i32
      %broadcast_in_dim3A_783 = vector.broadcast %broadcast_in_dim3A_782 : i32 to vector<16xi32>
      %xor3A_784 = arith.xori %iota3A_781, %broadcast_in_dim3A_783 : vector<16xi32>
      %lt3A_785 = arith.constant 0 : i32
      %lt3A_786 = vector.broadcast %lt3A_785 : i32 to vector<16xi32>
      %lt3A_787 = arith.cmpi slt, %xor3A_784, %lt3A_786 : vector<16xi32>
      %add3A_788 = arith.constant 16 : i32
      %add3A_789 = vector.broadcast %add3A_788 : i32 to vector<16xi32>
      %add3A_790 = arith.addi %xor3A_784, %add3A_789 : vector<16xi32>
      %select_n3A_791 = arith.select %lt3A_787, %add3A_790, %xor3A_784 : vector<16xi1>, vector<16xi32>
      %broadcast_in_dim3A_792 = vector.shape_cast %select_n3A_791 : vector<16xi32> to vector<16x1xi32>
      %gather3A_793 = vector.shape_cast %broadcast_in_dim3A_792 : vector<16x1xi32> to vector<16xi32>
      %gather3A_794 = tpu.dynamic_gather %add3A_778[%gather3A_793] in [0] : vector<16xf32>, vector<16xi32> -> vector<16xf32>
      %add3A_795 = arith.addf %add3A_778, %gather3A_794 : vector<16xf32>
      %broadcast_in_dim3A_796 = arith.constant 4 : i32
      %broadcast_in_dim3A_797 = vector.broadcast %broadcast_in_dim3A_796 : i32 to vector<16xi32>
      %xor3A_798 = arith.xori %iota3A_781, %broadcast_in_dim3A_797 : vector<16xi32>
      %lt3A_799 = arith.constant 0 : i32
      %lt3A_800 = vector.broadcast %lt3A_799 : i32 to vector<16xi32>
      %lt3A_801 = arith.cmpi slt, %xor3A_798, %lt3A_800 : vector<16xi32>
      %add3A_802 = arith.constant 16 : i32
      %add3A_803 = vector.broadcast %add3A_802 : i32 to vector<16xi32>
      %add3A_804 = arith.addi %xor3A_798, %add3A_803 : vector<16xi32>
      %select_n3A_805 = arith.select %lt3A_801, %add3A_804, %xor3A_798 : vector<16xi1>, vector<16xi32>
      %broadcast_in_dim3A_806 = vector.shape_cast %select_n3A_805 : vector<16xi32> to vector<16x1xi32>
      %gather3A_807 = vector.shape_cast %broadcast_in_dim3A_806 : vector<16x1xi32> to vector<16xi32>
      %gather3A_808 = tpu.dynamic_gather %add3A_795[%gather3A_807] in [0] : vector<16xf32>, vector<16xi32> -> vector<16xf32>
      %add3A_809 = arith.addf %add3A_795, %gather3A_808 : vector<16xf32>
      %broadcast_in_dim3A_810 = arith.constant 2 : i32
      %broadcast_in_dim3A_811 = vector.broadcast %broadcast_in_dim3A_810 : i32 to vector<16xi32>
      %xor3A_812 = arith.xori %iota3A_781, %broadcast_in_dim3A_811 : vector<16xi32>
      %lt3A_813 = arith.constant 0 : i32
      %lt3A_814 = vector.broadcast %lt3A_813 : i32 to vector<16xi32>
      %lt3A_815 = arith.cmpi slt, %xor3A_812, %lt3A_814 : vector<16xi32>
      %add3A_816 = arith.constant 16 : i32
      %add3A_817 = vector.broadcast %add3A_816 : i32 to vector<16xi32>
      %add3A_818 = arith.addi %xor3A_812, %add3A_817 : vector<16xi32>
      %select_n3A_819 = arith.select %lt3A_815, %add3A_818, %xor3A_812 : vector<16xi1>, vector<16xi32>
      %broadcast_in_dim3A_820 = vector.shape_cast %select_n3A_819 : vector<16xi32> to vector<16x1xi32>
      %gather3A_821 = vector.shape_cast %broadcast_in_dim3A_820 : vector<16x1xi32> to vector<16xi32>
      %gather3A_822 = tpu.dynamic_gather %add3A_809[%gather3A_821] in [0] : vector<16xf32>, vector<16xi32> -> vector<16xf32>
      %add3A_823 = arith.addf %add3A_809, %gather3A_822 : vector<16xf32>
      %broadcast_in_dim3A_824 = arith.constant 1 : i32
      %broadcast_in_dim3A_825 = vector.broadcast %broadcast_in_dim3A_824 : i32 to vector<16xi32>
      %xor3A_826 = arith.xori %iota3A_781, %broadcast_in_dim3A_825 : vector<16xi32>
      %lt3A_827 = arith.constant 0 : i32
      %lt3A_828 = vector.broadcast %lt3A_827 : i32 to vector<16xi32>
      %lt3A_829 = arith.cmpi slt, %xor3A_826, %lt3A_828 : vector<16xi32>
      %add3A_830 = arith.constant 16 : i32
      %add3A_831 = vector.broadcast %add3A_830 : i32 to vector<16xi32>
      %add3A_832 = arith.addi %xor3A_826, %add3A_831 : vector<16xi32>
      %select_n3A_833 = arith.select %lt3A_829, %add3A_832, %xor3A_826 : vector<16xi1>, vector<16xi32>
      %broadcast_in_dim3A_834 = vector.shape_cast %select_n3A_833 : vector<16xi32> to vector<16x1xi32>
      %gather3A_835 = vector.shape_cast %broadcast_in_dim3A_834 : vector<16x1xi32> to vector<16xi32>
      %gather3A_836 = tpu.dynamic_gather %add3A_823[%gather3A_835] in [0] : vector<16xf32>, vector<16xi32> -> vector<16xf32>
      %add3A_837 = arith.addf %add3A_823, %gather3A_836 : vector<16xf32>
      %iota3A_838 = tpu.iota {dimensions = array<i32: 0>} : vector<16xi32>
      %broadcast_in_dim3A_839 = arith.constant 8 : i32
      %broadcast_in_dim3A_840 = vector.broadcast %broadcast_in_dim3A_839 : i32 to vector<16xi32>
      %xor3A_841 = arith.xori %iota3A_838, %broadcast_in_dim3A_840 : vector<16xi32>
      %lt3A_842 = arith.constant 0 : i32
      %lt3A_843 = vector.broadcast %lt3A_842 : i32 to vector<16xi32>
      %lt3A_844 = arith.cmpi slt, %xor3A_841, %lt3A_843 : vector<16xi32>
      %add3A_845 = arith.constant 16 : i32
      %add3A_846 = vector.broadcast %add3A_845 : i32 to vector<16xi32>
      %add3A_847 = arith.addi %xor3A_841, %add3A_846 : vector<16xi32>
      %select_n3A_848 = arith.select %lt3A_844, %add3A_847, %xor3A_841 : vector<16xi1>, vector<16xi32>
      %broadcast_in_dim3A_849 = vector.shape_cast %select_n3A_848 : vector<16xi32> to vector<16x1xi32>
      %gather3A_850 = vector.shape_cast %broadcast_in_dim3A_849 : vector<16x1xi32> to vector<16xi32>
      %gather3A_851 = tpu.dynamic_gather %add3A_780[%gather3A_850] in [0] : vector<16xf32>, vector<16xi32> -> vector<16xf32>
      %add3A_852 = arith.addf %add3A_780, %gather3A_851 : vector<16xf32>
      %broadcast_in_dim3A_853 = arith.constant 4 : i32
      %broadcast_in_dim3A_854 = vector.broadcast %broadcast_in_dim3A_853 : i32 to vector<16xi32>
      %xor3A_855 = arith.xori %iota3A_838, %broadcast_in_dim3A_854 : vector<16xi32>
      %lt3A_856 = arith.constant 0 : i32
      %lt3A_857 = vector.broadcast %lt3A_856 : i32 to vector<16xi32>
      %lt3A_858 = arith.cmpi slt, %xor3A_855, %lt3A_857 : vector<16xi32>
      %add3A_859 = arith.constant 16 : i32
      %add3A_860 = vector.broadcast %add3A_859 : i32 to vector<16xi32>
      %add3A_861 = arith.addi %xor3A_855, %add3A_860 : vector<16xi32>
      %select_n3A_862 = arith.select %lt3A_858, %add3A_861, %xor3A_855 : vector<16xi1>, vector<16xi32>
      %broadcast_in_dim3A_863 = vector.shape_cast %select_n3A_862 : vector<16xi32> to vector<16x1xi32>
      %gather3A_864 = vector.shape_cast %broadcast_in_dim3A_863 : vector<16x1xi32> to vector<16xi32>
      %gather3A_865 = tpu.dynamic_gather %add3A_852[%gather3A_864] in [0] : vector<16xf32>, vector<16xi32> -> vector<16xf32>
      %add3A_866 = arith.addf %add3A_852, %gather3A_865 : vector<16xf32>
      %broadcast_in_dim3A_867 = arith.constant 2 : i32
      %broadcast_in_dim3A_868 = vector.broadcast %broadcast_in_dim3A_867 : i32 to vector<16xi32>
      %xor3A_869 = arith.xori %iota3A_838, %broadcast_in_dim3A_868 : vector<16xi32>
      %lt3A_870 = arith.constant 0 : i32
      %lt3A_871 = vector.broadcast %lt3A_870 : i32 to vector<16xi32>
      %lt3A_872 = arith.cmpi slt, %xor3A_869, %lt3A_871 : vector<16xi32>
      %add3A_873 = arith.constant 16 : i32
      %add3A_874 = vector.broadcast %add3A_873 : i32 to vector<16xi32>
      %add3A_875 = arith.addi %xor3A_869, %add3A_874 : vector<16xi32>
      %select_n3A_876 = arith.select %lt3A_872, %add3A_875, %xor3A_869 : vector<16xi1>, vector<16xi32>
      %broadcast_in_dim3A_877 = vector.shape_cast %select_n3A_876 : vector<16xi32> to vector<16x1xi32>
      %gather3A_878 = vector.shape_cast %broadcast_in_dim3A_877 : vector<16x1xi32> to vector<16xi32>
      %gather3A_879 = tpu.dynamic_gather %add3A_866[%gather3A_878] in [0] : vector<16xf32>, vector<16xi32> -> vector<16xf32>
      %add3A_880 = arith.addf %add3A_866, %gather3A_879 : vector<16xf32>
      %broadcast_in_dim3A_881 = arith.constant 1 : i32
      %broadcast_in_dim3A_882 = vector.broadcast %broadcast_in_dim3A_881 : i32 to vector<16xi32>
      %xor3A_883 = arith.xori %iota3A_838, %broadcast_in_dim3A_882 : vector<16xi32>
      %lt3A_884 = arith.constant 0 : i32
      %lt3A_885 = vector.broadcast %lt3A_884 : i32 to vector<16xi32>
      %lt3A_886 = arith.cmpi slt, %xor3A_883, %lt3A_885 : vector<16xi32>
      %add3A_887 = arith.constant 16 : i32
      %add3A_888 = vector.broadcast %add3A_887 : i32 to vector<16xi32>
      %add3A_889 = arith.addi %xor3A_883, %add3A_888 : vector<16xi32>
      %select_n3A_890 = arith.select %lt3A_886, %add3A_889, %xor3A_883 : vector<16xi1>, vector<16xi32>
      %broadcast_in_dim3A_891 = vector.shape_cast %select_n3A_890 : vector<16xi32> to vector<16x1xi32>
      %gather3A_892 = vector.shape_cast %broadcast_in_dim3A_891 : vector<16x1xi32> to vector<16xi32>
      %gather3A_893 = tpu.dynamic_gather %add3A_880[%gather3A_892] in [0] : vector<16xf32>, vector<16xi32> -> vector<16xf32>
      %add3A_894 = arith.addf %add3A_880, %gather3A_893 : vector<16xf32>
      %max3A_895 = arith.maximumf %add3A_837, %broadcast_in_dim3A_472 : vector<16xf32>
      %bitcast_convert_type3A_896 = tpu.bitcast %max3A_895 : vector<16xf32> -> vector<16xi32>
      %broadcast_in_dim3A_897 = arith.constant 1597463007 : i32
      %broadcast_in_dim3A_898 = vector.broadcast %broadcast_in_dim3A_897 : i32 to vector<16xi32>
      %broadcast_in_dim3A_899 = arith.constant 1 : i32
      %broadcast_in_dim3A_900 = vector.broadcast %broadcast_in_dim3A_899 : i32 to vector<16xi32>
      %shift_right_arithmetic3A_901 = arith.shrsi %bitcast_convert_type3A_896, %broadcast_in_dim3A_900 : vector<16xi32>
      %sub3A_902 = arith.subi %broadcast_in_dim3A_898, %shift_right_arithmetic3A_901 : vector<16xi32>
      %bitcast_convert_type3A_903 = tpu.bitcast %sub3A_902 : vector<16xi32> -> vector<16xf32>
      %broadcast_in_dim3A_904 = arith.constant 5.000000e-01 : f32
      %broadcast_in_dim3A_905 = vector.broadcast %broadcast_in_dim3A_904 : f32 to vector<16xf32>
      %mul3A_906 = arith.mulf %broadcast_in_dim3A_905, %max3A_895 : vector<16xf32>
      %broadcast_in_dim3A_907 = arith.constant 1.500000e+00 : f32
      %broadcast_in_dim3A_908 = vector.broadcast %broadcast_in_dim3A_907 : f32 to vector<16xf32>
      %mul3A_909 = arith.mulf %mul3A_906, %bitcast_convert_type3A_903 : vector<16xf32>
      %mul3A_910 = arith.mulf %mul3A_909, %bitcast_convert_type3A_903 : vector<16xf32>
      %sub3A_911 = arith.subf %broadcast_in_dim3A_908, %mul3A_910 : vector<16xf32>
      %mul3A_912 = arith.mulf %bitcast_convert_type3A_903, %sub3A_911 : vector<16xf32>
      %mul3A_913 = arith.mulf %mul3A_906, %mul3A_912 : vector<16xf32>
      %mul3A_914 = arith.mulf %mul3A_913, %mul3A_912 : vector<16xf32>
      %sub3A_915 = arith.subf %broadcast_in_dim3A_908, %mul3A_914 : vector<16xf32>
      %mul3A_916 = arith.mulf %mul3A_912, %sub3A_915 : vector<16xf32>
      %mul3A_917 = arith.mulf %mul3A_906, %mul3A_916 : vector<16xf32>
      %mul3A_918 = arith.mulf %mul3A_917, %mul3A_916 : vector<16xf32>
      %sub3A_919 = arith.subf %broadcast_in_dim3A_908, %mul3A_918 : vector<16xf32>
      %mul3A_920 = arith.mulf %mul3A_916, %sub3A_919 : vector<16xf32>
      %mul3A_921 = arith.mulf %mul3A_906, %mul3A_920 : vector<16xf32>
      %mul3A_922 = arith.mulf %mul3A_921, %mul3A_920 : vector<16xf32>
      %sub3A_923 = arith.subf %broadcast_in_dim3A_908, %mul3A_922 : vector<16xf32>
      %mul3A_924 = arith.mulf %mul3A_920, %sub3A_923 : vector<16xf32>
      %mul3A_925 = arith.mulf %add3A_837, %mul3A_924 : vector<16xf32>
      %max3A_926 = arith.maximumf %add3A_894, %broadcast_in_dim3A_472 : vector<16xf32>
      %bitcast_convert_type3A_927 = tpu.bitcast %max3A_926 : vector<16xf32> -> vector<16xi32>
      %broadcast_in_dim3A_928 = arith.constant 1597463007 : i32
      %broadcast_in_dim3A_929 = vector.broadcast %broadcast_in_dim3A_928 : i32 to vector<16xi32>
      %broadcast_in_dim3A_930 = arith.constant 1 : i32
      %broadcast_in_dim3A_931 = vector.broadcast %broadcast_in_dim3A_930 : i32 to vector<16xi32>
      %shift_right_arithmetic3A_932 = arith.shrsi %bitcast_convert_type3A_927, %broadcast_in_dim3A_931 : vector<16xi32>
      %sub3A_933 = arith.subi %broadcast_in_dim3A_929, %shift_right_arithmetic3A_932 : vector<16xi32>
      %bitcast_convert_type3A_934 = tpu.bitcast %sub3A_933 : vector<16xi32> -> vector<16xf32>
      %broadcast_in_dim3A_935 = arith.constant 5.000000e-01 : f32
      %broadcast_in_dim3A_936 = vector.broadcast %broadcast_in_dim3A_935 : f32 to vector<16xf32>
      %mul3A_937 = arith.mulf %broadcast_in_dim3A_936, %max3A_926 : vector<16xf32>
      %broadcast_in_dim3A_938 = arith.constant 1.500000e+00 : f32
      %broadcast_in_dim3A_939 = vector.broadcast %broadcast_in_dim3A_938 : f32 to vector<16xf32>
      %mul3A_940 = arith.mulf %mul3A_937, %bitcast_convert_type3A_934 : vector<16xf32>
      %mul3A_941 = arith.mulf %mul3A_940, %bitcast_convert_type3A_934 : vector<16xf32>
      %sub3A_942 = arith.subf %broadcast_in_dim3A_939, %mul3A_941 : vector<16xf32>
      %mul3A_943 = arith.mulf %bitcast_convert_type3A_934, %sub3A_942 : vector<16xf32>
      %mul3A_944 = arith.mulf %mul3A_937, %mul3A_943 : vector<16xf32>
      %mul3A_945 = arith.mulf %mul3A_944, %mul3A_943 : vector<16xf32>
      %sub3A_946 = arith.subf %broadcast_in_dim3A_939, %mul3A_945 : vector<16xf32>
      %mul3A_947 = arith.mulf %mul3A_943, %sub3A_946 : vector<16xf32>
      %mul3A_948 = arith.mulf %mul3A_937, %mul3A_947 : vector<16xf32>
      %mul3A_949 = arith.mulf %mul3A_948, %mul3A_947 : vector<16xf32>
      %sub3A_950 = arith.subf %broadcast_in_dim3A_939, %mul3A_949 : vector<16xf32>
      %mul3A_951 = arith.mulf %mul3A_947, %sub3A_950 : vector<16xf32>
      %mul3A_952 = arith.mulf %mul3A_937, %mul3A_951 : vector<16xf32>
      %mul3A_953 = arith.mulf %mul3A_952, %mul3A_951 : vector<16xf32>
      %sub3A_954 = arith.subf %broadcast_in_dim3A_939, %mul3A_953 : vector<16xf32>
      %mul3A_955 = arith.mulf %mul3A_951, %sub3A_954 : vector<16xf32>
      %mul3A_956 = arith.mulf %add3A_894, %mul3A_955 : vector<16xf32>
      %sub3A_957 = arith.subf %mul3A_925, %mul3A_956 : vector<16xf32>
      %get3A_958 = arith.constant 0 : index
      %get3A_959 = tpu.vector_load %arg11[%get3A_958] {strides = array<i32>} : memref<16xf32, #tpu.memory_space<vmem>>, vector<16xf32>,
      %get3A_960 = vector.shape_cast %get3A_959 : vector<16xf32> to vector<16xf32>
      %add3A_961 = arith.addf %sub3A_957, %get3A_960 : vector<16xf32>
      %swap3A = arith.constant 0 : index
      %swap3A_962 = tpu.vector_load %arg12[%swap3A] {strides = array<i32>} : memref<16xf32, #tpu.memory_space<vmem>>, vector<16xf32>,
      %swap3A_963 = vector.shape_cast %swap3A_962 : vector<16xf32> to vector<16xf32>
      %swap3A_964 = vector.shape_cast %add3A_961 : vector<16xf32> to vector<16xf32>
      tpu.vector_store %arg12[%swap3A], %swap3A_964 {strides = array<i32>} : memref<16xf32, #tpu.memory_space<vmem>>, vector<16xf32>,
      "tpu.region"() ({
        %run_scoped3A = tpu.sem_alloc : memref<!tpu.dma_semaphore, #tpu.memory_space<semaphore_mem>>
        %dma_start3A_965 = arith.constant 0 : i32
        %dma_start3A_966 = tpu.memref_slice %arg12[%dma_start3A_965] : memref<16xf32, #tpu.memory_space<vmem>> -> memref<1xf32, #tpu.memory_space<vmem>>
        %dma_start3A_967 = arith.constant 0 : i32
        %dma_start3A_968 = tpu.memref_slice %arg12[%dma_start3A_967] : memref<16xf32, #tpu.memory_space<vmem>> -> memref<1xf32, #tpu.memory_space<vmem>>
        tpu.enqueue_dma source(%dma_start3A_968 : memref<1xf32, #tpu.memory_space<vmem>>) target(%arg6 : memref<1xf32, #tpu.memory_space<hbm>>) target_semaphore(%run_scoped3A : memref<!tpu.dma_semaphore, #tpu.memory_space<semaphore_mem>>)
        %dma_wait3A_969 = arith.constant 0 : i32
        %dma_wait3A_970 = tpu.memref_slice %arg12[%dma_wait3A_969] : memref<16xf32, #tpu.memory_space<vmem>> -> memref<1xf32, #tpu.memory_space<vmem>>
        %dma_wait3A_971 = arith.constant 0 : i32
        %dma_wait3A_972 = tpu.memref_slice %arg12[%dma_wait3A_971] : memref<16xf32, #tpu.memory_space<vmem>> -> memref<1xf32, #tpu.memory_space<vmem>>
        tpu.wait_dma2 semaphore(%run_scoped3A : memref<!tpu.dma_semaphore, #tpu.memory_space<semaphore_mem>>) src(%dma_wait3A_972 : memref<1xf32, #tpu.memory_space<vmem>>) dst(%arg6 : memref<1xf32, #tpu.memory_space<hbm>>)
        tpu.yield
      }) : () -> ()
    } else {
    }
    return
  }
}

</mosaic_0001>

<sc_bundles>
// kernel: kernel.3.cloned.1.call-start
scs
__scs_entry_jumppad:
0x0: {  	(pc) =	sbr.rel $0x88, $3  }
0x1: {  	(tag) =	ssettag $0x0;
	lr =	simm.s32 $0x1  }
0x2: {  	[smem:$0x3F9D] =	sst lr;
	_ =	strace $0xD0000000  }
0x3: {  	_ = 	snop  }
0x4: {  	_ = 	snop  }
0x5: {  	_ = 	snop  }
0x6: {  	_ = 	snop  }
0x7: {  	_ = 	snop  }
__scs_overlays_trampoline_lowered:
0x8: {  	[smem:$0x3FAC] =	sst s0  }
0x9: {  	[smem:$0x3FAD] =	sst s1  }
0xa: {  	[smem:$0x3FAE] =	sst s2  }
0xb: {  	[smem:$0x3FAF] =	sst s3  }
0xc: {  	[smem:$0x3FB0] =	sst s4  }
0xd: {  	[smem:$0x3FB1] =	sst s5  }
0xe: {  	[smem:$0x3FB2] =	sst s6  }
0xf: {  	[smem:$0x3FB3] =	sst s7  }
0x10: {  	[smem:$0x3FB4] =	sst s8  }
0x11: {  	[smem:$0x3FB5] =	sst s9;
	s0 =	simm.s32 @!p0 $0x0  }
0x12: {  	s1 =	sld [smem:$0x3F9B];
	s0 =	simm.s32 @p0 $0x1  }
0x13: {  	[smem:$0x3FB6] =	sst s0;
	s0 =	simm.s32 @!p1 $0x0  }
0x14: {  	s2 =	sld [smem:$0x3F9A];
	s0 =	simm.s32 @p1 $0x1  }
0x15: {  	[smem:$0x3FB7] =	sst s0;
	s0 =	simm.s32 @!p2 $0x0  }
0x16: {  	s3 =	sld [smem:$0x3FDB];
	s0 =	simm.s32 @p2 $0x1  }
0x17: {  	s4 =	simm.s32 $0x1BF5;
	[smem:$0x3FB9] =	sst s0  }
0x18: {  	s0 =	sld [smem:$0x3F9C];
	_ =	swait.ge [sflag:s4], $0x0  }
0x19: {  	s7 =	sld [smem:$0x3F9D]  }
0x1a: {  	s8 =	sadd.s32 $0xFFFFE003, lr  }
0x1b: {  	s9 =	sadd.s32 $0xFFFFFEF7, lr;
	s5 =	simm.s32 $0xFFFFFFFF;
	p2 =	slt.u32 s8, $0xFFFFF086  }
0x1c: {  	p1 =	slt.u32 s9, $0xF7A;
	s5 =	simm.s32 @!p2 $0x0  }
0x1d: {  	s5 =	simm.s32 @p1 $0x1;
	p0 =	seq.s32 s7, s2  }
0x1e: {  	s7 =	smul.u32 @!p0 $0xF7A, s2;
	p2 =	seq.s32 @!p0 s5, $0x0  }
0x1f: {  	s9 =	smul.u32 $0xF7A, s1;
	s8 =	simm.s32 @!p0 $0x1BF5;
	p2 =	por !p2, p0  }
0x20: {  	[sflag:s8] =	ssyncset.s32 @!p0 $0xFFFFF086;
	s6 =	sadd.s32 @!p0 s3, s7;
	s7 =	simm.s32 @!p0 $0x108  }
0x21: {  	s3 =	sadd.s32 s3, s9;
	s6 =	sadd.s32 @!p0 $0x88, s6;
	s7 =	simm.s32 @p2 $0x1082  }
0x22: {  	[simem:s7], [sflag:s8] =	dma.local @!p0 [hbm:s6], $0xF7A  }
0x23: {  	s9 =	sor.u32 $0xD0000000, s2;
	s6 =	simm.s32 $0x108;
	_ =	swait.ge @!p0 [sflag:s8], $0x0  }
0x24: {  	s3 =	sadd.s32 $0x88, s3;
	s6 =	simm.s32 @!p1 $0x1082;
	[sflag:s4] =	ssyncset.s32 $0xFFFFF086  }
0x25: {  	[simem:s6], [sflag:s4] =	dma.local [hbm:s3], $0xF7A  }
0x26: {  	[smem:$0x3F9D] =	sst s1;
	(tag) =	ssettag s2;
	_ =	strace s9  }
0x27: {  	s1 =	sld [smem:$0x3FAD]  }
0x28: {  	s2 =	sld [smem:$0x3FAE]  }
0x29: {  	s4 =	sld [smem:$0x3FB0]  }
0x2a: {  	p0 =	seq.s32 s5, $0x0;
	s5 =	sld [smem:$0x3FB1]  }
0x2b: {  	s6 =	sld [smem:$0x3FB2]  }
0x2c: {  	s7 =	sld [smem:$0x3FB3]  }
0x2d: {  	s3 =	simm.s32 $0x108;
	s8 =	sld [smem:$0x3FB4]  }
0x2e: {  	s3 =	simm.s32 @!p0 $0x1082;
	s9 =	sld [smem:$0x3FB5]  }
0x2f: {  	lr =	sadd.s32 s0, s3;
	s0 =	sld [smem:$0x3FAC]  }
0x30: {  	s3 =	sld [smem:$0x3FAF]  }
0x31: {  	[smem:$0x3FB8] =	sst s10  }
0x32: {  	s10 =	sld [smem:$0x3FB6];
	_ =	sdelay $0x3  }
0x33: {  	p0 =	seq.s32 s10, $0x1;
	s10 =	sld [smem:$0x3FB8];
	_ =	sdelay $0x3  }
0x34: {  	[smem:$0x3FB8] =	sst s10  }
0x35: {  	s10 =	sld [smem:$0x3FB7];
	_ =	sdelay $0x3  }
0x36: {  	p1 =	seq.s32 s10, $0x1;
	s10 =	sld [smem:$0x3FB8];
	_ =	sdelay $0x3  }
0x37: {  	[smem:$0x3FB8] =	sst s10  }
0x38: {  	s10 =	sld [smem:$0x3FB9]  }
0x39: {  	_ = 	snop;
	(pc) =	sbr.ind lr, $3  }
0x3a: {  	_ = 	snop  }
0x3b: {  	_ = 	snop  }
0x3c: {  	p2 =	seq.s32 s10, $0x1;
	s10 =	sld [smem:$0x3FB8]  }
0x3d: {  	_ =	shalt  }
0x3e: {  	_ =	shalt  }
0x3f: {  	_ =	shalt  }
0x40: {  	_ =	shalt  }
0x41: {  	_ =	shalt  }
0x42: {  	_ =	shalt  }
0x43: {  	_ =	shalt  }
0x44: {  	_ =	shalt  }
0x45: {  	_ =	shalt  }
0x46: {  	_ =	shalt  }
0x47: {  	_ =	shalt  }
0x48: {  	_ =	shalt  }
0x49: {  	_ =	shalt  }
0x4a: {  	_ =	shalt  }
0x4b: {  	_ =	shalt  }
0x4c: {  	_ =	shalt  }
0x4d: {  	_ =	shalt  }
0x4e: {  	_ =	shalt  }
0x4f: {  	_ =	shalt  }
0x50: {  	_ =	shalt  }
0x51: {  	_ =	shalt  }
0x52: {  	_ =	shalt  }
0x53: {  	_ =	shalt  }
0x54: {  	_ =	shalt  }
0x55: {  	_ =	shalt  }
0x56: {  	_ =	shalt  }
0x57: {  	_ =	shalt  }
0x58: {  	_ =	shalt  }
0x59: {  	_ =	shalt  }
0x5a: {  	_ =	shalt  }
0x5b: {  	_ =	shalt  }
0x5c: {  	_ =	shalt  }
0x5d: {  	_ =	shalt  }
0x5e: {  	_ =	shalt  }
0x5f: {  	_ =	shalt  }
0x60: {  	_ =	shalt  }
0x61: {  	_ =	shalt  }
0x62: {  	_ =	shalt  }
0x63: {  	_ =	shalt  }
0x64: {  	_ =	shalt  }
0x65: {  	_ =	shalt  }
0x66: {  	_ =	shalt  }
0x67: {  	_ =	shalt  }
0x68: {  	_ =	shalt  }
0x69: {  	_ =	shalt  }
0x6a: {  	_ =	shalt  }
0x6b: {  	_ =	shalt  }
0x6c: {  	_ =	shalt  }
0x6d: {  	_ =	shalt  }
0x6e: {  	_ =	shalt  }
0x6f: {  	_ =	shalt  }
0x70: {  	_ =	shalt  }
0x71: {  	_ =	shalt  }
0x72: {  	_ =	shalt  }
0x73: {  	_ =	shalt  }
0x74: {  	_ =	shalt  }
0x75: {  	_ =	shalt  }
0x76: {  	_ =	shalt  }
0x77: {  	_ =	shalt  }
0x78: {  	_ =	shalt  }
0x79: {  	_ =	shalt  }
0x7a: {  	_ =	shalt  }
0x7b: {  	_ =	shalt  }
0x7c: {  	_ =	shalt  }
0x7d: {  	_ =	shalt  }
0x7e: {  	_ =	shalt  }
0x7f: {  	_ =	shalt  }
0x80: {  	_ =	shalt  }
0x81: {  	_ =	shalt  }
0x82: {  	_ =	shalt  }
0x83: {  	_ =	shalt  }
0x84: {  	_ =	shalt  }
0x85: {  	_ =	shalt  }
0x86: {  	_ =	shalt  }
0x87: {  	_ =	shalt  }
.Lfunc_end0:
.L_simem_size_0:
called_computation_lowered:
.L_overlay_start_0:
0x88: {  	s0 =	sld [smem:$0x3FD9]  }
0x89: {  	s1 =	sld [smem:$0x3FFE];
	_ =	sdelay $0x3  }
0x8a: {  	s0 =	sadd.s32 s1, s0  }
0x8b: {  	[smem:$0x3FC4] =	sst s0  }
0x8c: {  	_ = 	snop  }
0x8d: {  	s0 =	sld [smem:$0x3FC8]  }
0x8e: {  	s16 =	sld [smem:$0x3FC7]  }
0x8f: {  	s2 =	sld [smem:$0x3FC6]  }
0x90: {  	s3 =	sld [smem:$0x3FD0];
	(tm) =	ssettm $0x1  }
0x91: {  	s4 =	sld [smem:$0x3FFB];
	_ =	sdelay $0x3  }
0x92: {  	_ =	strace s4  }
0x93: {  	s4 =	sld [smem:$0x3FFC];
	_ =	sdelay $0x3  }
0x94: {  	_ =	strace s4  }
0x95: {  	s4 =	sld [smem:$0x3FFD];
	_ =	sdelay $0x3  }
0x96: {  	_ =	strace s4  }
0x97: {  	_ =	strace $0x8FFFFFFF  }
0x98: {  	s17 =	sld [smem:$0x3FDB];
	_ =	sdelay $0x1  }
0x99: {  	s5 =	simm.s32 $_scs_section_size  }
0x9a: {  	s6 =	simm.s32 $_size__tile_overlayer_lowered;
	s7 =	simm.s32 $_tile_overlayer_lowered  }
0x9b: {  	s20 =	simm.s32 $0x1BFF;
	s19 =	sshll.u32 s7, $0x1;
	s4 =	sadd.s32 s5, s17  }
0x9c: {  	s8 =	simm.s32 $0x0;
	s18 =	sshll.u32 s6, $0x1;
	s6 =	sadd.s32 s19, s4  }
0x9d: {  	[timem:s8], [sflag:s20] =	dma.local [hbm:s6], s18  }
0x9e: {  	_ =	swait.ge [sflag:s20], s18  }
0x9f: {  	s5 =	ssub.s32 $0x0, s18;
	[sflag:s20] =	ssyncset.done $0x0  }
0xa0: {  	[sflag:s20] =	ssyncadd.s32 s5;
	_ =	sdelay $0x1  }
0xa1: {  	s21 =	simm.s32 $0x1B8B  }
0xa2: {  	_ =	swait.ge [sflag:s21], $0x1  }
0xa3: {  	[sflag:s21] =	ssyncset.done $0x0  }
0xa4: {  	s23 =	simm.s32 $0x1B8E;
	s22 =	sld [smem:$0x3FFE];
	[sflag:s21] =	ssyncadd.s32 $0xFFFFFFFF  }
0xa5: {  	s24 =	simm.s32 $execute0_lowered;
	[smem:$0x3FD2] =	sst s23  }
0xa6: {  	s6 =	sshll.u32 s24, $0x1;
	_ =	strace $0x80000046;
	[dreg:$0x1] =	wrdreg $0xFFFFFFFF  }
0xa7: {  	s25 =	simm.s32 $_size_execute0_lowered;
	s4 =	sadd.s32 s4, s6;
	[dreg:$0x0] =	wrdreg $0x0  }
0xa8: {  	s6 =	sshll.u32 s25, $0x1;
	[dreg:$0x2] =	wrdreg s4  }
0xa9: {  	[dreg:$0x3] =	wrdreg s6  }
0xaa: {  	[dreg:$0x4] =	wrdreg $0xC0  }
0xab: {  	_ =	task [dreg:s8], $0x5FFFF  }
0xac: {  	[dreg:$0x1] =	wrdreg $0xFFFFFFFF  }
0xad: {  	[dreg:$0x0] =	wrdreg $0x60  }
0xae: {  	[dreg:$0x2] =	wrdreg s22  }
0xaf: {  	[dreg:$0x3] =	wrdreg s16  }
0xb0: {  	[dreg:$0x4] =	wrdreg s2  }
0xb1: {  	[dreg:$0x5] =	wrdreg s0  }
0xb2: {  	[dreg:$0x6] =	wrdreg s3  }
0xb3: {  	[dreg:$0x7] =	wrdreg $0x1000  }
0xb4: {  	[dreg:$0x8] =	wrdreg $0x9  }
0xb5: {  	_ =	task.clear_ibuf [dreg:s8], $0x9FFFF;
	_ =	strace $0x90000046  }
0xb6: {  	s26 =	simm.s32 $0x9;
	_ =	strace $0x80000048  }
0xb7: {  	_ =	swait.ge [sflag:s26], $0x1  }
0xb8: {  	[sflag:s26] =	ssyncadd.s32 $0xFFFFFFFF  }
0xb9: {  	_ =	strace $0x90000048  }
0xba: {  	_ =	sfence  }
0xbb: {  	s28 =	sld [smem:$0x0];
	_ =	sdelay $0x1  }
0xbc: {  	s29 =	srdreg.scid  }
0xbd: {  	s30 =	sshll.u32 s29, $0xD;
	s31 =	sshrl.u32 s29, $0x2  }
0xbe: {  	s1 =	sand.u32 $0x1, s29;
	s2 =	sand.u32 $0x4000, s30;
	s0 =	sadd.s32 s31, s28  }
0xbf: {  	s1 =	sor.u32 s2, s1;
	s0 =	sshll.u32 s0, $0x11  }
0xc0: {  	s0 =	sor.u32 s0, s1  }
0xc1: {  	s0 =	sadd.s32 $0x8F2B, s0  }
0xc2: {  	[sflag:s0] =	ssyncadd.remote.s32 $0x1  }
0xc3: {  	_ =	sfence.sel $0xFFFF  }
0xc4: {  	[dreg:$0x0] =	wrdreg $0xFFFFFFFF;
	(pc) =	sbr.abs _section_cstart, $3  }
0xc5: {  	[dreg:$0x1] =	wrdreg $0xFFFFFFFF  }
0xc6: {  	_ =	task.clear_ibuf [dreg:s8], $0x2FFFF;
	_ =	strace $0x9FFFFFFF  }
0xc7: {  	(tm) =	ssettm $0x7FFFFFFF  }
tec
execute0_lowered:
.L_overlay_start_1:
0x0: {  	(tag) =	ssettag $0x1  }
0x1: {  	s5 =	rddreg [dreg:$0x0]  }
0x2: {  	s7 =	rddreg [dreg:$0x1]  }
0x3: {  	s4 =	rddreg [dreg:$0x2]  }
0x4: {  	s6 =	rddreg [dreg:$0x3]  }
0x5: {  	s1 =	rddreg [dreg:$0x4]  }
0x6: {  	s3 =	rddreg [dreg:$0x5];
	s2 =	simm.s32 $0x0  }
0x7: {  	s8 =	stileid.u32;
	[smem:$0x7FF] =	sst s2  }
0x8: {  	s0 =	rddreg [dreg:$0x6];
	p0 =	sne.s32 s8, $0x0;
	_ =	strace $0x80000047  }
0x9: {  	_ =	sfence.sel @p0 $0x180000  }
0xa: {  	[bflag:$0x0] =	sbarrier.arrive @p0 $0xFFFF  }
0xb: {  	_ =	strace @p0 $0x90000047  }
0xc: {  	[bflag:$0x2] =	sbarrier.arrive @p0 $0xFFFF  }
0xd: {  	_ =	shalt @p0  }
.LBB2_1:
0xe: {  	[tilespmem:s2], [sflag:$0x1] =	stream.linear.gather [hbm4b:s5+s2], $0x3, $0x38;
	[tilespmem:$0xC00] =	vst v63  }
0xf: {  	s5 =	simm.s32 $0x80  }
0x10: {  	[tilespmem:s5], [sflag:$0x1] =	stream.linear.gather [hbm4b:s7+s2], $0x1, $0x38;
	[tilespmem:$0xC00] =	vst v63  }
0x11: {  	s20 =	simm.s32 $0xB00  }
0x12: {  	[tilespmem:s20], [sflag:$0x1] =	stream.linear.gather [hbm4b:s4+s2], $0x1, $0x38;
	[tilespmem:$0xC00] =	vst v63  }
0x13: {  	s4 =	simm.s32 $0x1  }
0x14: {  	_ =	swait.ge [sflag:s4], $0x3  }
0x15: {  	[sflag:s4] =	ssyncset.done $0x0  }
0x16: {  	[sflag:s4] =	ssyncadd.s32 $0xFFFFFFFD  }
0x17: {  	_ =	swait.ge [sflag:s4], $0x1  }
0x18: {  	[sflag:s4] =	ssyncset.done $0x0  }
0x19: {  	[sflag:s4] =	ssyncadd.s32 $0xFFFFFFFF  }
0x1a: {  	_ =	swait.ge [sflag:s4], $0x1  }
0x1b: {  	[sflag:s4] =	ssyncset.done $0x0  }
0x1c: {  	[sflag:s4] =	ssyncadd.s32 $0xFFFFFFFF  }
0x1d: {  	v0 =	vld [tilespmem:$0x0];
	_ =	sdelay $0x4  }
0x1e: {  	(v2sf) =	vpush v0, $0x0  }
0x1f: {  	(v2sf) =	vpush v0, $0x1  }
0x20: {  	v35 =	vld [tilespmem:$0x80];
	_ =	sdelay $0x2  }
0x21: {  	(v2sf) =	vpush v0, $0x2;
	_ =	sdelay $0x1  }
0x22: {  	(v2sf) =	vpush v35, $0x0;
	_ =	sdelay $0x6  }
0x23: {  	s15 =	simm.s32 $0x1;
	s24 =	sadd.s32 $0x4000, s3;
	s16 =	sadd.s32 $0x2000, s3  }
0x24: {  	s17 =	simm.s32 $0x1;
	s18 =	sshrl.u32 s3, $0x3;
	s7 =	spop (v2sf)  }
0x25: {  	s19 =	simm.s32 $0x8;
	s30 =	sshrl.u32 s16, $0x3;
	s8 =	spop (v2sf)  }
0x26: {  	s20 =	simm.s32 $0xF4280;
	s10 =	sshra.s32 s7, $0x1F;
	s9 =	sshra.s32 s8, $0x1F  }
0x27: {  	p3 =	slt.s32 s7, $0x1;
	s10 =	sshrl.u32 s10, $0x19;
	s9 =	sshrl.u32 s9, $0x19  }
0x28: {  	p0 =	slt.s32 s8, $0x1;
	s13 =	sadd.s32 s10, s7;
	s11 =	sadd.s32 s9, s8  }
0x29: {  	s9 =	spop (v2sf);
	s23 =	sand.u32 $0xFFFFFF80, s13;
	s13 =	sshrl.u32 s13, $0x7  }
0x2a: {  	s12 =	sand.u32 $0xFFFFFF80, s11;
	s21 =	sshra.s32 s9, $0x1F;
	p6 =	slt.s32 s9, $0x1  }
0x2b: {  	p4 =	sne.s32 s7, s23;
	s25 =	spop (v2sf);
	s11 =	sshrl.u32 s11, $0x7  }
0x2c: {  	p1 =	sne.s32 s8, s12;
	s22 =	sshrl.u32 s21, $0x19;
	p4 =	por !p3, !p4  }
0x2d: {  	s26 =	sshra.s32 s25, $0x1F;
	s21 =	simm.s32 $0x1C01;
	p5 =	slt.s32 s25, $0x1  }
0x2e: {  	p0 =	por !p0, !p1;
	s14 =	sadd.s32 s22, s9;
	p1 =	por !p4, !p4  }
0x2f: {  	p0 =	por !p0, !p0;
	s10 =	sand.u32 $0xFFFFFF80, s14;
	s17 =	simm.s32 @!p1 $0x0  }
0x30: {  	s14 =	sshrl.u32 s14, $0x7;
	p2 =	sne.s32 s9, s10;
	s15 =	simm.s32 @!p0 $0x0  }
0x31: {  	s13 =	ssub.s32 s13, s17;
	s17 =	sshrl.u32 s26, $0x19;
	p2 =	por !p6, !p2  }
0x32: {  	s11 =	ssub.s32 s11, s15;
	s15 =	simm.s32 $0x1;
	s13 =	sshll.u32 s13, $0x7  }
0x33: {  	s17 =	sadd.s32 s17, s25;
	p0 =	por !p2, !p2;
	s13 =	sand.u32 $0x1FFFFF80, s13  }
0x34: {  	s29 =	sand.u32 $0xFFFFFF80, s17;
	s11 =	sshll.u32 s11, $0x7;
	s15 =	simm.s32 @!p0 $0x0  }
0x35: {  	s13 =	sadd.s32 s6, s13;
	p6 =	sne.s32 s25, s29;
	s11 =	sand.u32 $0x1FFFFF80, s11  }
0x36: {  	[spmem:s18@s5], [sflag:s21] =	dma.strided [hbm:s13@s20], $0x400, s19, $0x10   }
0x37: {  	s28 =	ssub.s32 s14, s15;
	p0 =	por !p5, !p6;
	s11 =	sadd.s32 s6, s11  }
0x38: {  	[spmem:s30@s5], [sflag:s21] =	dma.strided [hbm:s11@s20], $0x400, s19, $0x10   }
0x39: {  	p0 =	por !p0, !p0;
	s11 =	simm.s32 $0x1;
	s13 =	sshll.u32 s28, $0x7  }
0x3a: {  	s31 =	sshrl.u32 s17, $0x7;
	s11 =	simm.s32 @!p0 $0x0;
	s13 =	sand.u32 $0x1FFFFF80, s13  }
0x3b: {  	s12 =	sshrl.u32 s24, $0x3;
	s11 =	ssub.s32 s31, s11;
	s13 =	sadd.s32 s6, s13  }
0x3c: {  	[spmem:s12@s5], [sflag:s21] =	dma.strided [hbm:s13@s20], $0x400, s19, $0x10   }
0x3d: {  	s11 =	sshll.u32 s11, $0x7  }
0x3e: {  	s15 =	sadd.s32 $0x6000, s3;
	s11 =	sand.u32 $0x1FFFFF80, s11  }
0x3f: {  	s17 =	sshrl.u32 s15, $0x3;
	s16 =	sadd.s32 s6, s11  }
0x40: {  	[spmem:s17@s5], [sflag:s21] =	dma.strided [hbm:s16@s20], $0x400, s19, $0x10   }
0x41: {  	_ =	swait.ge [sflag:s4], $0x400  }
0x42: {  	[sflag:s4] =	ssyncset.done $0x0  }
0x43: {  	[sflag:s4] =	ssyncadd.s32 $0xFFFFFC00  }
0x44: {  	_ =	swait.ge [sflag:s4], $0x400  }
0x45: {  	[sflag:s4] =	ssyncset.done $0x0  }
0x46: {  	[sflag:s4] =	ssyncadd.s32 $0xFFFFFC00  }
0x47: {  	_ =	swait.ge [sflag:s4], $0x400  }
0x48: {  	[sflag:s4] =	ssyncset.done $0x0  }
0x49: {  	s23 =	simm.s32 $0x980;
	[sflag:s4] =	ssyncadd.s32 $0xFFFFFC00  }
0x4a: {  	s22 =	sand.u32 $0x7F, s9;
	s18 =	sand.u32 $0x7F, s7;
	_ =	swait.ge [sflag:s4], $0x400  }
0x4b: {  	s6 =	sadd.s32 s18, s3;
	s19 =	sand.u32 $0x7F, s8;
	[sflag:s4] =	ssyncset.done $0x0  }
0x4c: {  	s20 =	simm.s32 $0x900;
	s21 =	sadd.s32 s19, s3;
	[sflag:s4] =	ssyncadd.s32 $0xFFFFFC00  }
0x4d: {  	[tilespmem:s20], [sflag:$0x1] =	stream.strided.gather [spmem:s6], $0x40, s5, s4, $0x38;
	[tilespmem:$0xC00] =	vst v63  }
0x4e: {  	s24 =	sadd.s32 s22, s3;
	s25 =	sand.u32 $0x7F, s25;
	s6 =	sadd.s32 $0x2000, s21  }
0x4f: {  	[tilespmem:s23], [sflag:$0x1] =	stream.strided.gather [spmem:s6], $0x40, s5, s4, $0x38;
	[tilespmem:$0xC00] =	vst v63  }
0x50: {  	s26 =	simm.s32 $0xA00;
	s28 =	sadd.s32 s25, s3;
	s6 =	sadd.s32 $0x4000, s24  }
0x51: {  	[tilespmem:s26], [sflag:$0x1] =	stream.strided.gather [spmem:s6], $0x40, s5, s4, $0x38;
	[tilespmem:$0xC00] =	vst v63  }
0x52: {  	s29 =	simm.s32 $0xA80;
	s3 =	sadd.s32 $0x6000, s28  }
0x53: {  	[tilespmem:s29], [sflag:$0x1] =	stream.strided.gather [spmem:s3], $0x40, s5, s4, $0x38;
	[tilespmem:$0xC00] =	vst v63  }
0x54: {  	_ =	swait.ge [sflag:s4], $0x40  }
0x55: {  	[sflag:s4] =	ssyncset.done $0x0  }
0x56: {  	[sflag:s4] =	ssyncadd.s32 $0xFFFFFFC0  }
0x57: {  	_ =	swait.ge [sflag:s4], $0x40  }
0x58: {  	[sflag:s4] =	ssyncset.done $0x0  }
0x59: {  	[sflag:s4] =	ssyncadd.s32 $0xFFFFFFC0  }
0x5a: {  	_ =	swait.ge [sflag:s4], $0x40  }
0x5b: {  	[sflag:s4] =	ssyncset.done $0x0  }
0x5c: {  	[sflag:s4] =	ssyncadd.s32 $0xFFFFFFC0  }
0x5d: {  	_ =	swait.ge [sflag:s4], $0x40  }
0x5e: {  	[sflag:s4] =	ssyncset.done $0x0  }
0x5f: {  	[sflag:s4] =	ssyncadd.s32 $0xFFFFFFC0  }
0x60: {  	v6 =	vld [tilespmem:$0x900]  }
0x61: {  	v7 =	vld [tilespmem:$0xA80]  }
0x62: {  	v4 =	vld [tilespmem:$0x910]  }
0x63: {  	v2 =	vld [tilespmem:$0xA90]  }
0x64: {  	v10 =	vld [tilespmem:$0xA00]  }
0x65: {  	v16 =	vimm.s32 $0xFEDCBA98;
	v8 =	vld [tilespmem:$0xA10]  }
0x66: {  	v39 =	vimm.s32 $0x76543210;
	v18 =	vimm.s32 $0xBA98FEDC;
	v0 =	vld [tilespmem:$0x920]  }
0x67: {  	v19 =	vimm.s32 $0x32107654;
	v5 =	vld [tilespmem:$0xA20];
	v3 =	vmul.f32 v6, v6;
	v12 =	vmul.f32 v4, v4  }
0x68: {  	v45 =	vimm.s32 $0xDCFE98BA;
	v11 =	vmul.f32 v7, v7;
	v14 =	vmul.f32 v2, v2  }
0x69: {  	v20 =	vimm.s32 $0x54761032;
	v16 =	vunpack.c.l.s4.s8 v16;
	v12 =	vadd.f32 v12, v3;
	v3 =	vld [tilespmem:$0x930]  }
0x6a: {  	v9 =	vmul.f32 v10, v10;
	v13 =	vmul.f32 v8, v8;
	v36 =	vadd.f32 v14, v11;
	v11 =	vld [tilespmem:$0xA30]  }
0x6b: {  	v40 =	vunpack.c.l.s4.s8 v39;
	v18 =	vunpack.c.l.s4.s8 v18;
	v1 =	vld [tilespmem:$0xAA0];
	v37 =	vmul.f32 v0, v0  }
0x6c: {  	v42 =	vunpack.c.l.s4.s8 v19;
	v38 =	vmul.f32 v5, v5;
	v9 =	vadd.f32 v13, v9  }
0x6d: {  	v20 =	vunpack.c.l.s4.s8 v20;
	v16 =	vunpack.c.0.s8.s32 v16;
	v17 =	vadd.f32 v37, v12;
	v12 =	vld [tilespmem:$0xAB0]  }
0x6e: {  	v14 =	vadd.f32 v38, v9;
	v9 =	vunpack.c.0.s8.s32 v40;
	v41 =	vmul.f32 v3, v3  }
0x6f: {  	v44 =	vunpack.c.0.s8.s32 v18;
	v16 =	vand.u32 $0xF, v16;
	v43 =	vmul.f32 v11, v11  }
0x70: {  	v15 =	vmul.f32 v1, v1;
	v9 =	vcombine.low v16, v9;
	v13 =	vadd.f32 v41, v17  }
0x71: {  	v18 =	vunpack.c.l.s4.s8 v45;
	v17 =	vunpack.c.0.s8.s32 v42;
	v14 =	vadd.f32 v43, v14  }
0x72: {  	v15 =	vadd.f32 v15, v36;
	v46 =	vmul.f32 v12, v12;
	v21 =	vperm.xlane v13, v9  }
0x73: {  	v50 =	vimm.s32 $0xEFCDAB89;
	v16 =	vcombine.low v17, v44;
	v48 =	vperm.xlane v14, v9  }
0x74: {  	v20 =	vunpack.c.0.s8.s32 v20;
	v18 =	vunpack.c.0.s8.s32 v18;
	v15 =	vadd.f32 v46, v15  }
0x75: {  	v47 =	vadd.f32 v21, v13;
	v13 =	vand.u32 $0xF, v16;
	v16 =	vadd.f32 v48, v14  }
0x76: {  	v51 =	vimm.s32 $0x67452301;
	v18 =	vcombine.low v20, v18;
	v22 =	vperm.xlane v15, v9  }
0x77: {  	v20 =	vunpack.c.l.s4.s8 v50;
	v49 =	vperm.xlane v47, v13;
	v52 =	vperm.xlane v16, v13  }
0x78: {  	v21 =	vunpack.c.l.s4.s8 v51;
	v55 =	vadd.f32 v22, v15  }
0x79: {  	v53 =	vunpack.c.0.s8.s32 v20;
	v17 =	vadd.f32 v49, v47;
	v16 =	vadd.f32 v52, v16  }
0x7a: {  	v14 =	vand.u32 $0xF, v18;
	v54 =	vunpack.c.0.s8.s32 v21;
	v58 =	vperm.xlane v55, v13  }
0x7b: {  	v56 =	vperm.xlane v17, v14;
	v59 =	vperm.xlane v16, v14  }
0x7c: {  	v57 =	vcombine.low v54, v53;
	v61 =	vadd.f32 v58, v55  }
0x7d: {  	v17 =	vadd.f32 v56, v17;
	v16 =	vadd.f32 v59, v16  }
0x7e: {  	v60 =	vand.u32 $0xF, v57;
	v63 =	vperm.xlane v61, v14  }
0x7f: {  	v62 =	vperm.xlane v17, v60;
	v24 =	vperm.xlane v16, v60  }
0x80: {  	v18 =	vadd.f32 v63, v61  }
0x81: {  	v17 =	vadd.f32 v62, v17;
	v16 =	vadd.f32 v24, v16  }
0x82: {  	v27 =	vperm.xlane v18, v60  }
0x83: {  	v25 =	vmax.f32 v17, $1.000000000e-30;
	v28 =	vmax.f32 v16, $1.000000000e-30  }
0x84: {  	v18 =	vadd.f32 v27, v18;
	v26 =	vshra.s32 v25, $0x1;
	v20 =	vmul.f32 $5.000000000e-01, v25  }
0x85: {  	v23 =	vshra.s32 v28, $0x1;
	v22 =	vmul.f32 $5.000000000e-01, v28;
	v19 =	vsub.s32 $0x5F3759DF, v26  }
0x86: {  	v23 =	vsub.s32 $0x5F3759DF, v23;
	v29 =	vmul.f32 v19, v20  }
0x87: {  	v25 =	vmax.f32 v18, $1.000000000e-30;
	v24 =	vmul.f32 v23, v22  }
0x88: {  	v26 =	vshra.s32 v25, $0x1;
	v25 =	vmul.f32 $5.000000000e-01, v25;
	v21 =	vmul.f32 v19, v29  }
0x89: {  	v26 =	vsub.s32 $0x5F3759DF, v26;
	v24 =	vmul.f32 v23, v24  }
0x8a: {  	v27 =	vmul.f32 v26, v25;
	v21 =	vsub.f32 $1.500000000e+00, v21  }
0x8b: {  	v24 =	vsub.f32 $1.500000000e+00, v24  }
0x8c: {  	v30 =	vmul.f32 v26, v27;
	v19 =	vmul.f32 v19, v21  }
0x8d: {  	v23 =	vmul.f32 v23, v24  }
0x8e: {  	v21 =	vsub.f32 $1.500000000e+00, v30;
	v31 =	vmul.f32 v19, v20  }
0x8f: {  	v32 =	vmul.f32 v23, v22  }
0x90: {  	v21 =	vmul.f32 v26, v21;
	v24 =	vmul.f32 v31, v19  }
0x91: {  	v33 =	vmul.f32 v32, v23  }
0x92: {  	v34 =	vmul.f32 v21, v25;
	v24 =	vsub.f32 $1.500000000e+00, v24  }
0x93: {  	v26 =	vsub.f32 $1.500000000e+00, v33  }
0x94: {  	v35 =	vmul.f32 v34, v21;
	v19 =	vmul.f32 v24, v19  }
0x95: {  	v23 =	vmul.f32 v26, v23  }
0x96: {  	v24 =	vsub.f32 $1.500000000e+00, v35;
	v36 =	vmul.f32 v19, v20  }
0x97: {  	v37 =	vmul.f32 v23, v22  }
0x98: {  	v21 =	vmul.f32 v24, v21;
	v26 =	vmul.f32 v36, v19  }
0x99: {  	v38 =	vmul.f32 v37, v23  }
0x9a: {  	v39 =	vmul.f32 v21, v25;
	v26 =	vsub.f32 $1.500000000e+00, v26  }
0x9b: {  	v24 =	vsub.f32 $1.500000000e+00, v38  }
0x9c: {  	v40 =	vmul.f32 v39, v21;
	v19 =	vmul.f32 v26, v19  }
0x9d: {  	v23 =	vmul.f32 v24, v23  }
0x9e: {  	v41 =	vsub.f32 $1.500000000e+00, v40;
	v20 =	vmul.f32 v19, v20  }
0x9f: {  	v22 =	vmul.f32 v23, v22  }
0xa0: {  	v21 =	vmul.f32 v41, v21;
	v20 =	vmul.f32 v20, v19;
	_ =	sdelay $0x1  }
0xa1: {  	v22 =	vmul.f32 v22, v23;
	v24 =	vmul.f32 v21, v25;
	v20 =	vsub.f32 $1.500000000e+00, v20;
	_ =	sdelay $0x1  }
0xa2: {  	v22 =	vsub.f32 $1.500000000e+00, v22;
	v42 =	vmul.f32 v24, v21;
	v19 =	vmul.f32 v20, v19;
	_ =	sdelay $0x1  }
0xa3: {  	v22 =	vmul.f32 v22, v23;
	v43 =	vsub.f32 $1.500000000e+00, v42;
	v17 =	vmul.f32 v19, v17;
	_ =	sdelay $0x1  }
0xa4: {  	v16 =	vmul.f32 v22, v16;
	v19 =	vmul.f32 v43, v21;
	v17 =	vmax.f32 v17, $9.999999960e-13  }
0xa5: {  	(erf) = vrcp.f32 v17  }
0xa6: {  	v16 =	vmax.f32 v16, $9.999999960e-13;
	v44 =	vmul.f32 v19, v18  }
0xa7: {  	(erf) = vrcp.f32 v16  }
0xa8: {  	v16 =	vmax.f32 v44, $9.999999960e-13  }
0xa9: {  	(erf) = vrcp.f32 v16;
	_ =	sdelay $0x2  }
0xaa: {  	v45 =	vld [tilespmem:$0x980]  }
0xab: {  	v50 =	vld [tilespmem:$0x9B0]  }
0xac: {  	v47 =	vld [tilespmem:$0x990];
	v17 =	vpop (erf)  }
0xad: {  	v49 =	vld [tilespmem:$0x9A0];
	v6 =	vmul.f32 v17, v6;
	v4 =	vmul.f32 v17, v4  }
0xae: {  	v46 =	vpop (erf);
	v0 =	vmul.f32 v17, v0;
	v3 =	vmul.f32 v17, v3  }
0xaf: {  	v10 =	vmul.f32 v46, v10;
	v8 =	vmul.f32 v46, v8  }
0xb0: {  	v48 =	vpop (erf);
	v5 =	vmul.f32 v46, v5;
	v51 =	vmul.f32 v46, v11  }
0xb1: {  	v7 =	vmul.f32 v48, v7;
	v10 =	vsub.f32 v45, v10;
	v8 =	vsub.f32 v47, v8  }
0xb2: {  	v2 =	vmul.f32 v48, v2;
	v5 =	vsub.f32 v49, v5;
	v52 =	vsub.f32 v50, v51  }
0xb3: {  	v1 =	vmul.f32 v48, v1;
	v6 =	vadd.f32 v10, v6;
	v4 =	vadd.f32 v8, v4  }
0xb4: {  	v53 =	vmul.f32 v48, v12;
	v7 =	vadd.f32 v7, v10;
	v2 =	vadd.f32 v2, v8  }
0xb5: {  	v0 =	vadd.f32 v5, v0;
	v6 =	vmul.f32 v6, v6;
	v4 =	vmul.f32 v4, v4  }
0xb6: {  	v1 =	vadd.f32 v1, v5;
	v7 =	vmul.f32 v7, v7;
	v2 =	vmul.f32 v2, v2  }
0xb7: {  	v3 =	vadd.f32 v52, v3;
	v0 =	vmul.f32 v0, v0;
	v4 =	vadd.f32 v4, v6  }
0xb8: {  	v5 =	vadd.f32 v53, v52;
	v1 =	vmul.f32 v1, v1;
	v2 =	vadd.f32 v2, v7  }
0xb9: {  	v3 =	vmul.f32 v3, v3;
	v0 =	vadd.f32 v4, v0  }
0xba: {  	v54 =	vmul.f32 v5, v5;
	v1 =	vadd.f32 v2, v1  }
0xbb: {  	v0 =	vadd.f32 v0, v3  }
0xbc: {  	v1 =	vadd.f32 v1, v54  }
0xbd: {  	v55 =	vperm.xlane v0, v9  }
0xbe: {  	v56 =	vperm.xlane v1, v9  }
0xbf: {  	v0 =	vadd.f32 v0, v55  }
0xc0: {  	v1 =	vadd.f32 v1, v56  }
0xc1: {  	v2 =	vperm.xlane v0, v13  }
0xc2: {  	v3 =	vperm.xlane v1, v13  }
0xc3: {  	v0 =	vadd.f32 v0, v2  }
0xc4: {  	v1 =	vadd.f32 v1, v3  }
0xc5: {  	v2 =	vperm.xlane v0, v14  }
0xc6: {  	v3 =	vperm.xlane v1, v14  }
0xc7: {  	v0 =	vadd.f32 v0, v2  }
0xc8: {  	v1 =	vadd.f32 v1, v3  }
0xc9: {  	v2 =	vperm.xlane v0, v60  }
0xca: {  	v3 =	vperm.xlane v1, v60  }
0xcb: {  	v0 =	vadd.f32 v0, v2  }
0xcc: {  	v1 =	vadd.f32 v1, v3  }
0xcd: {  	v2 =	vmax.f32 v0, $1.000000000e-30  }
0xce: {  	v58 =	vmax.f32 v1, $1.000000000e-30;
	v57 =	vshra.s32 v2, $0x1  }
0xcf: {  	v2 =	vmul.f32 $5.000000000e-01, v2;
	v59 =	vshra.s32 v58, $0x1;
	v4 =	vmul.f32 $5.000000000e-01, v58  }
0xd0: {  	v3 =	vsub.s32 $0x5F3759DF, v57;
	v5 =	vsub.s32 $0x5F3759DF, v59  }
0xd1: {  	v60 =	vmul.f32 v3, v2;
	v61 =	vmul.f32 v5, v4;
	_ =	sdelay $0x1  }
0xd2: {  	v6 =	vmul.f32 v3, v60;
	v7 =	vmul.f32 v5, v61;
	_ =	sdelay $0x1  }
0xd3: {  	v6 =	vsub.f32 $1.500000000e+00, v6;
	v7 =	vsub.f32 $1.500000000e+00, v7;
	_ =	sdelay $0x1  }
0xd4: {  	v3 =	vmul.f32 v3, v6;
	v5 =	vmul.f32 v5, v7;
	_ =	sdelay $0x1  }
0xd5: {  	v6 =	vmul.f32 v3, v2;
	v7 =	vmul.f32 v5, v4;
	_ =	sdelay $0x1  }
0xd6: {  	v6 =	vmul.f32 v6, v3;
	v7 =	vmul.f32 v7, v5;
	_ =	sdelay $0x1  }
0xd7: {  	v6 =	vsub.f32 $1.500000000e+00, v6;
	v7 =	vsub.f32 $1.500000000e+00, v7;
	_ =	sdelay $0x1  }
0xd8: {  	v3 =	vmul.f32 v6, v3;
	v5 =	vmul.f32 v7, v5;
	_ =	sdelay $0x1  }
0xd9: {  	v6 =	vmul.f32 v3, v2;
	v7 =	vmul.f32 v5, v4;
	_ =	sdelay $0x1  }
0xda: {  	v6 =	vmul.f32 v6, v3;
	v7 =	vmul.f32 v7, v5;
	_ =	sdelay $0x1  }
0xdb: {  	v6 =	vsub.f32 $1.500000000e+00, v6;
	v7 =	vsub.f32 $1.500000000e+00, v7;
	_ =	sdelay $0x1  }
0xdc: {  	v3 =	vmul.f32 v6, v3;
	v5 =	vmul.f32 v7, v5;
	_ =	sdelay $0x1  }
0xdd: {  	v2 =	vmul.f32 v3, v2;
	v4 =	vmul.f32 v5, v4;
	_ =	sdelay $0x1  }
0xde: {  	v2 =	vmul.f32 v2, v3;
	v4 =	vmul.f32 v4, v5;
	_ =	sdelay $0x1  }
0xdf: {  	v2 =	vsub.f32 $1.500000000e+00, v2;
	v4 =	vsub.f32 $1.500000000e+00, v4;
	_ =	sdelay $0x1  }
0xe0: {  	v2 =	vmul.f32 v2, v3;
	v62 =	vmul.f32 v4, v5  }
0xe1: {  	v63 =	vld [tilespmem:$0xB00]  }
0xe2: {  	v0 =	vmul.f32 v2, v0;
	v1 =	vmul.f32 v62, v1;
	_ =	sdelay $0x1  }
0xe3: {  	v0 =	vsub.f32 v0, v1;
	_ =	sdelay $0x1  }
0xe4: {  	v0 =	vadd.f32 v0, v63;
	_ =	sdelay $0x1  }
0xe5: {  	s30 =	simm.s32 $0xB80;
	s31 =	simm.s32 $0x2;
	[tilespmem:$0xB80] =	vst v0  }
0xe6: {  	[hbm4b:s1+s2] =	stream.linear.scatter [tilespmem:s30], [sflag:$0x2], $0x1, $0x38;
	[tilespmem:$0xC00] =	vst v63  }
0xe7: {  	_ =	swait.ge [sflag:s31], $0x1  }
0xe8: {  	[sflag:s31] =	ssyncset.done $0x0  }
0xe9: {  	[sflag:s31] =	ssyncadd.s32 $0xFFFFFFFF  }
0xea: {  	_ =	sfence.sel $0x180000  }
0xeb: {  	[bflag:$0x0] =	sbarrier.arrive $0xFFFF  }
0xec: {  	_ =	strace $0x90000047  }
0xed: {  	s0 =	sadd.s32 $0x100000, s0;
	[bflag:$0x2] =	sbarrier.arrive $0xFFFF  }
0xee: {  	[sflag:s0] =	ssyncadd.tile.s32 $0x1;
	_ =	shalt  }
.Lfunc_end2:
_tile_overlayer_lowered:
.L_overlay_start_2:
0xef: {  	(tag) =	ssettag $0x2  }
0xf0: {  	s0 =	rddreg [dreg:$0x0];
	s2 =	stileid.u32  }
0xf1: {  	s1 =	rddreg [dreg:$0x1];
	p0 =	sne.s32 s2, $0x0  }
0xf2: {  	s3 =	rddreg [dreg:$0x2];
	[bflag:$0x3] =	sbarrier.arrive $0xFFFF;
	s2 =	simm.s32 @!p0 $0x1C02  }
0xf3: {  	[timem:s3], [sflag:s2] =	dma.local @!p0 [hbm:s0], s1  }
0xf4: {  	s0 =	simm.s32 @!p0 $0x2  }
0xf5: {  	_ =	swait.ge @!p0 [sflag:s0], s1  }
0xf6: {  	s1 =	ssub.s32 @!p0 $0x0, s1;
	[sflag:s0] =	ssyncset.done @!p0 $0x0  }
0xf7: {  	[sflag:s0] =	ssyncadd.s32 @!p0 s1  }
0xf8: {  	[bflag:$0x3] =	sbarrier.arrive $0xFFFF  }
0xf9: {  	_ =	shalt  }

</sc_bundles>
